<compile_context>
chip_gen: v7x
topology: tpu7x:2x2x1
jax: 0.10.2.dev20260603
libtpu: 0.0.44.dev20260713+nightly
codegen_flags: <defaults>
</compile_context>

<pallas_src>
import functools

import jax
import jax.numpy as jnp
from jax import lax
from jax.experimental import pallas as pl
from jax.experimental.pallas import tpu as pltpu
from jax.experimental.pallas import tpu_sc as plsc

NC = 2
NS = 16
NW = NC * NS
LW = 128
IDX_BITS = 14
PAD_ROWS = 128
ROWS_TC = 2000


def _sc_mesh():
    return plsc.VectorSubcoreMesh(core_axis_name="c", subcore_axis_name="s")


CH = 624


def _sliced_copy(s, total, src_at, dst_at):
    last = total - (NS - 1) * CH
    off = pl.multiple_of(s * CH, 8)

    @pl.when(s < NS - 1)
    def _():
        pltpu.sync_copy(src_at(off, CH), dst_at(off, CH))

    @pl.when(s == NS - 1)
    def _():
        o = (NS - 1) * CH
        pltpu.sync_copy(src_at(o, last), dst_at(o, last))


def _deg_call(n, n_pad, k, d, dstr, zeros_nd, ones_rows):

    @functools.partial(
        pl.kernel,
        mesh=_sc_mesh(),
        out_type=jax.ShapeDtypeStruct((NC, n, d), jnp.float32),
        scratch_types=[
            pltpu.VMEM((k, LW), jnp.int32),
            pltpu.VMEM((LW, d), jnp.float32),
            pltpu.VMEM_SHARED((n_pad, d), jnp.float32),
            pltpu.SemaphoreType.DMA,
        ],
    )
    def deg_kernel(dst_hbm, zeros_hbm, ones_hbm, out_hbm, didx, ones_v, acc,
                   sem):
        c = lax.axis_index("c")
        s = lax.axis_index("s")
        wid = c * NS + s
        _sliced_copy(s, n,
                     lambda o, r: zeros_hbm.at[pl.ds(o, r)],
                     lambda o, r: acc.at[pl.ds(o, r)])
        pltpu.sync_copy(ones_hbm, ones_v)
        pltpu.sync_copy(dst_hbm.at[wid], didx)
        plsc.subcore_barrier()

        @pl.loop(0, k)
        def _(j):
            pltpu.sync_copy(ones_v, acc.at[didx.at[j]], add=True)

        plsc.subcore_barrier()
        _sliced_copy(s, n,
                     lambda o, r: acc.at[pl.ds(o, r)],
                     lambda o, r: out_hbm.at[c].at[pl.ds(o, r)])

    return deg_kernel(dstr, zeros_nd, ones_rows)


def _agg_call(n, n_pad, k, d, hp, zeros_nd, pkr):

    @functools.partial(
        pl.kernel,
        mesh=_sc_mesh(),
        out_type=jax.ShapeDtypeStruct((NC, n, d), jnp.float32),
        scratch_types=[
            pltpu.VMEM((k, LW), jnp.int32),
            pltpu.VMEM((LW,), jnp.int32),
            pltpu.VMEM((LW,), jnp.int32),
            pltpu.VMEM((LW,), jnp.int32),
            pltpu.VMEM((LW,), jnp.int32),
            pltpu.VMEM((LW, d), jnp.float32),
            pltpu.VMEM((LW, d), jnp.float32),
            pltpu.VMEM_SHARED((n_pad, d), jnp.float32),
            pltpu.SemaphoreType.DMA,
            pltpu.SemaphoreType.DMA,
            pltpu.SemaphoreType.DMA,
            pltpu.SemaphoreType.DMA,
        ],
    )
    def agg_kernel(hp_hbm, zeros_hbm, pk_hbm, out_hbm,
                   pk, sb0, db0, sb1, db1, buf0, buf1, acc,
                   sem0, sem1, ssem0, ssem1):
        c = lax.axis_index("c")
        s = lax.axis_index("s")
        wid = c * NS + s

        def unpack(j, sb, db):
            @pl.loop(0, LW, step=16)
            def _(q):
                q = pl.multiple_of(q, 8)
                v = pk[j, pl.ds(q, 16)]
                sb[pl.ds(q, 16)] = lax.bitwise_and(v, (1 << IDX_BITS) - 1)
                db[pl.ds(q, 16)] = lax.shift_right_logical(v, IDX_BITS)

        @pl.when(c == 0)
        def _():
            _sliced_copy(s, n,
                         lambda o, r: hp_hbm.at[pl.ds(o, r)],
                         lambda o, r: acc.at[pl.ds(o, r)])

        @pl.when(c != 0)
        def _():
            _sliced_copy(s, n,
                         lambda o, r: zeros_hbm.at[pl.ds(o, r)],
                         lambda o, r: acc.at[pl.ds(o, r)])

        pltpu.sync_copy(pk_hbm.at[wid], pk)
        plsc.subcore_barrier()

        unpack(0, sb0, db0)
        pltpu.async_copy(hp_hbm.at[sb0], buf0, sem0)
        if k > 1:
            unpack(1, sb1, db1)
            pltpu.async_copy(hp_hbm.at[sb1], buf1, sem1)

        @pl.loop(0, k, step=2)
        def _(j):
            pltpu.make_async_copy(hp_hbm.at[sb0], buf0, sem0).wait()
            pltpu.async_copy(buf0, acc.at[db0], ssem0, add=True)

            @pl.when(j + 1 < k)
            def _():
                pltpu.make_async_copy(hp_hbm.at[sb1], buf1, sem1).wait()
                pltpu.async_copy(buf1, acc.at[db1], ssem1, add=True)

            @pl.when(j + 2 < k)
            def _():
                pltpu.make_async_copy(buf0, acc.at[db0], ssem0).wait()
                unpack(j + 2, sb0, db0)
                pltpu.async_copy(hp_hbm.at[sb0], buf0, sem0)

            @pl.when(j + 3 < k)
            def _():
                pltpu.make_async_copy(buf1, acc.at[db1], ssem1).wait()
                unpack(j + 3, sb1, db1)
                pltpu.async_copy(hp_hbm.at[sb1], buf1, sem1)

        pltpu.make_async_copy(buf0, acc.at[db0], ssem0).wait()
        if k > 1:
            pltpu.make_async_copy(buf1, acc.at[db1], ssem1).wait()
        plsc.subcore_barrier()
        _sliced_copy(s, n,
                     lambda o, r: acc.at[pl.ds(o, r)],
                     lambda o, r: out_hbm.at[c].at[pl.ds(o, r)])

    return agg_kernel(hp, zeros_nd, pkr)


def _matmul_call(x, w):
    n, d = x.shape
    do = w.shape[1]

    def body(x_ref, w_ref, o_ref):
        o_ref[...] = jnp.dot(x_ref[...], w_ref[...],
                             preferred_element_type=jnp.float32)

    return pl.pallas_call(
        body,
        grid=(n // ROWS_TC,),
        in_specs=[pl.BlockSpec((ROWS_TC, d), lambda i: (i, 0)),
                  pl.BlockSpec((d, do), lambda i: (0, 0))],
        out_specs=pl.BlockSpec((ROWS_TC, do), lambda i: (i, 0)),
        out_shape=jax.ShapeDtypeStruct((n, do), jnp.float32),
    )(x, w)


def _dis_block(deg_ref):
    cnt = deg_ref[0, :, 0:1] + deg_ref[1, :, 0:1]
    return lax.rsqrt(cnt + 1.0)


def _scale_call(deg, h):
    n, d = h.shape

    def body(deg_ref, h_ref, o_ref):
        o_ref[...] = h_ref[...] * _dis_block(deg_ref)

    return pl.pallas_call(
        body,
        grid=(n // ROWS_TC,),
        in_specs=[pl.BlockSpec((NC, ROWS_TC, d), lambda i: (0, i, 0)),
                  pl.BlockSpec((ROWS_TC, d), lambda i: (i, 0))],
        out_specs=pl.BlockSpec((ROWS_TC, d), lambda i: (i, 0)),
        out_shape=jax.ShapeDtypeStruct((n, d), jnp.float32),
    )(deg, h)


def _mid_call(acc, deg, b, w):
    _, n, d = acc.shape
    do = w.shape[1]

    def body(acc_ref, deg_ref, b_ref, w_ref, o_ref):
        dis = _dis_block(deg_ref)
        x1 = jnp.maximum((acc_ref[0] + acc_ref[1]) * dis + b_ref[...], 0.0)
        o_ref[...] = jnp.dot(x1, w_ref[...],
                             preferred_element_type=jnp.float32) * dis

    return pl.pallas_call(
        body,
        grid=(n // ROWS_TC,),
        in_specs=[pl.BlockSpec((NC, ROWS_TC, d), lambda i: (0, i, 0)),
                  pl.BlockSpec((NC, ROWS_TC, d), lambda i: (0, i, 0)),
                  pl.BlockSpec((1, d), lambda i: (0, 0)),
                  pl.BlockSpec((d, do), lambda i: (0, 0))],
        out_specs=pl.BlockSpec((ROWS_TC, do), lambda i: (i, 0)),
        out_shape=jax.ShapeDtypeStruct((n, do), jnp.float32),
    )(acc, deg, b, w)


def _final_call(acc, deg, b):
    _, n, d = acc.shape

    def body(acc_ref, deg_ref, b_ref, o_ref):
        dis = _dis_block(deg_ref)
        o_ref[...] = (acc_ref[0] + acc_ref[1]) * dis + b_ref[...]

    return pl.pallas_call(
        body,
        grid=(n // ROWS_TC,),
        in_specs=[pl.BlockSpec((NC, ROWS_TC, d), lambda i: (0, i, 0)),
                  pl.BlockSpec((NC, ROWS_TC, d), lambda i: (0, i, 0)),
                  pl.BlockSpec((1, d), lambda i: (0, 0))],
        out_specs=pl.BlockSpec((ROWS_TC, d), lambda i: (i, 0)),
        out_shape=jax.ShapeDtypeStruct((n, d), jnp.float32),
    )(acc, deg, b)


def kernel(e_prev, edge_index, W1, b1, W2, b2):
    n, _ = e_prev.shape
    d_hid = W1.shape[1]
    d_out = W2.shape[1]
    e = edge_index.shape[1]
    n_pad = n + PAD_ROWS
    k = -(-e // (NW * LW))
    e_pad = NW * k * LW
    pad = e_pad - e

    src = edge_index[0]
    dst = edge_index[1]
    srcp = jnp.concatenate([src, jnp.zeros((pad,), jnp.int32)])
    dstp = jnp.concatenate(
        [dst, n + (jnp.arange(pad, dtype=jnp.int32) % PAD_ROWS)])
    dstr = dstp.reshape(k, NW, LW).transpose(1, 0, 2)
    pkr = (srcp | (dstp << IDX_BITS)).reshape(k, NW, LW).transpose(1, 0, 2)

    zeros_nd = jnp.zeros((n, d_hid), jnp.float32)
    ones_rows = jnp.ones((LW, d_hid), jnp.float32)

    deg = _deg_call(n, n_pad, k, d_hid, dstr, zeros_nd, ones_rows)
    h1 = _matmul_call(e_prev, W1)
    hp1 = _scale_call(deg, h1)
    acc1 = _agg_call(n, n_pad, k, d_hid, hp1, zeros_nd, pkr)
    hp2 = _mid_call(acc1, deg, b1.reshape(1, d_hid), W2)
    acc2 = _agg_call(n, n_pad, k, d_out, hp2, zeros_nd, pkr)
    return _final_call(acc2, deg, b2.reshape(1, d_out))

# --- scband reference (transcript-rebuilt; emitter-appended) ---
"""Pipeline reference for scband-gnnencoder-47055661695547 (READ-ONLY COPY).

The authoritative reference and input builder live on the scoring server;
editing this copy changes nothing except your own understanding.
"""

import jax, jax.numpy as jnp
import numpy as np

N = 10000
E = 320000
D_IN = 128
D_HID = 128
D_OUT = 128


def glorot(key, shape):
    limit = float(np.sqrt(6.0 / (shape[0] + shape[1])))
    return jax.random.uniform(key, shape, minval=-limit, maxval=limit, dtype=jnp.float32)


def setup_inputs(seed: int = 0) -> dict:
    key = jax.random.key(seed)
    k1, k2, k3, k4 = jax.random.split(key, 4)
    e_prev = jax.random.normal(k1, (N, D_IN), dtype=jnp.float32)
    edge_index = jax.random.randint(k2, (2, E), 0, N, dtype=jnp.int32)
    W1 = glorot(k3, (D_IN, D_HID))
    b1 = jnp.zeros((D_HID,), dtype=jnp.float32)
    W2 = glorot(k4, (D_HID, D_OUT))
    b2 = jnp.zeros((D_OUT,), dtype=jnp.float32)
    return {"e_prev": e_prev, "edge_index": edge_index, "W1": W1, "b1": b1, "W2": W2, "b2": b2}


def _gcn_conv(x, edge_index, W, b):
    # PyG GCNConv: add self-loops, symmetric normalization D^{-1/2} A D^{-1/2}, sum aggregation
    n = x.shape[0]
    src = edge_index[0]
    dst = edge_index[1]
    loop = jnp.arange(n, dtype=src.dtype)
    src = jnp.concatenate([src, loop], axis=0)
    dst = jnp.concatenate([dst, loop], axis=0)
    ones = jnp.ones(src.shape[0], dtype=x.dtype)
    deg = jax.ops.segment_sum(ones, dst, num_segments=n)
    deg_inv_sqrt = jnp.where(deg > 0, deg ** -0.5, 0.0)
    norm = deg_inv_sqrt[src] * deg_inv_sqrt[dst]
    h = x @ W
    msg = h[src] * norm[:, None]
    out = jax.ops.segment_sum(msg, dst, num_segments=n)
    return out + b


def reference(e_prev, edge_index, W1, b1, W2, b2):
    x = _gcn_conv(e_prev, edge_index, W1, b1)
    x = jax.nn.relu(x)
    x = _gcn_conv(x, edge_index, W2, b2)
    return x

if __name__ == "__main__":
    import jax
    _d = setup_inputs()
    print(jax.jit(kernel)(*tuple(_d.values())))

</pallas_src>

<mosaic_0001>
#map = affine_map<(d0, d1) -> (0, 0)>
#map1 = affine_map<(d0, d1) -> (0, 0, 0)>
module attributes {stable_mosaic.version = 14 : i64} {
  func.func @agg_kernel(%arg0: i32, %arg1: i32, %arg2: memref<10000x128xf32, #tpu.memory_space<hbm>>, %arg3: memref<10000x128xf32, #tpu.memory_space<hbm>>, %arg4: memref<32x79x128xi32, #tpu.memory_space<hbm>>, %arg5: memref<2x10000x128xf32, #tpu.memory_space<hbm>>, %arg6: memref<79x128xi32, #tpu.memory_space<vmem>>, %arg7: memref<128xi32, #tpu.memory_space<vmem>>, %arg8: memref<128xi32, #tpu.memory_space<vmem>>, %arg9: memref<128xi32, #tpu.memory_space<vmem>>, %arg10: memref<128xi32, #tpu.memory_space<vmem>>, %arg11: memref<128x128xf32, #tpu.memory_space<vmem>>, %arg12: memref<128x128xf32, #tpu.memory_space<vmem>>, %arg13: memref<10128x128xf32, #tpu.memory_space<vmem_shared>>, %arg14: memref<!tpu.dma_semaphore, #tpu.memory_space<semaphore_mem>>, %arg15: memref<!tpu.dma_semaphore, #tpu.memory_space<semaphore_mem>>, %arg16: memref<!tpu.dma_semaphore, #tpu.memory_space<semaphore_mem>>, %arg17: memref<!tpu.dma_semaphore, #tpu.memory_space<semaphore_mem>>) attributes {dimension_semantics = [#tpu.dimension_semantics<core_parallel>, #tpu.dimension_semantics<subcore_parallel>], iteration_bounds = array<i64: 2, 16>, scalar_prefetch = 0 : i64, scratch_operands = 12 : i64, tpu.core_type = #tpu.core_type<sc_vector_subcore>, window_params = [{transform_indices = #map}, {transform_indices = #map}, {transform_indices = #map1}, {transform_indices = #map1}]} {
    %mul3A = arith.constant 16 : i32
    %mul3A_0 = arith.muli %arg0, %mul3A : i32
    %add3A = arith.addi %mul3A_0, %arg1 : i32
    %eq3A = arith.constant 0 : i32
    %eq3A_1 = arith.cmpi eq, %arg0, %eq3A : i32
    %convert_element_type3A = arith.extui %eq3A_1 : i1 to i32
    %cond3A = arith.constant 0 : i32
    %cond3A_2 = arith.cmpi ne, %convert_element_type3A, %cond3A : i32
    scf.if %cond3A_2 {
      %mul3A_43 = arith.constant 624 : i32
      %mul3A_44 = arith.muli %arg1, %mul3A_43 : i32
      %multiple_of3A_45 = tpu.assume_multiple %mul3A_44, 8 : i32
      %lt3A_46 = arith.constant 15 : i32
      %lt3A_47 = arith.cmpi slt, %arg1, %lt3A_46 : i32
      %convert_element_type3A_48 = arith.extui %lt3A_47 : i1 to i32
      %cond3A_49 = arith.constant 0 : i32
      %cond3A_50 = arith.cmpi ne, %convert_element_type3A_48, %cond3A_49 : i32
      scf.if %cond3A_50 {
        "tpu.region"() ({
          %run_scoped3A = tpu.sem_alloc : memref<!tpu.dma_semaphore, #tpu.memory_space<semaphore_mem>>
          %dma_start3A_56 = arith.constant 0 : i32
          %dma_start3A_57 = tpu.memref_slice %arg13[%multiple_of3A_45, %dma_start3A_56] : memref<10128x128xf32, #tpu.memory_space<vmem_shared>> -> memref<624x128xf32, #tpu.memory_space<vmem_shared>>
          %dma_start3A_58 = arith.constant 0 : i32
          %dma_start3A_59 = tpu.memref_slice %arg2[%multiple_of3A_45, %dma_start3A_58] : memref<10000x128xf32, #tpu.memory_space<hbm>> -> memref<624x128xf32, #tpu.memory_space<hbm>>
          tpu.enqueue_dma source(%dma_start3A_59 : memref<624x128xf32, #tpu.memory_space<hbm>>) target(%dma_start3A_57 : memref<624x128xf32, #tpu.memory_space<vmem_shared>>) target_semaphore(%run_scoped3A : memref<!tpu.dma_semaphore, #tpu.memory_space<semaphore_mem>>)
          %dma_wait3A_60 = arith.constant 0 : i32
          %dma_wait3A_61 = tpu.memref_slice %arg13[%multiple_of3A_45, %dma_wait3A_60] : memref<10128x128xf32, #tpu.memory_space<vmem_shared>> -> memref<624x128xf32, #tpu.memory_space<vmem_shared>>
          %dma_wait3A_62 = arith.constant 0 : i32
          %dma_wait3A_63 = tpu.memref_slice %arg2[%multiple_of3A_45, %dma_wait3A_62] : memref<10000x128xf32, #tpu.memory_space<hbm>> -> memref<624x128xf32, #tpu.memory_space<hbm>>
          tpu.wait_dma2 semaphore(%run_scoped3A : memref<!tpu.dma_semaphore, #tpu.memory_space<semaphore_mem>>) src(%dma_wait3A_63 : memref<624x128xf32, #tpu.memory_space<hbm>>) dst(%dma_wait3A_61 : memref<624x128xf32, #tpu.memory_space<vmem_shared>>)
          tpu.yield
        }) : () -> ()
      } else {
      }
      %eq3A_51 = arith.constant 15 : i32
      %eq3A_52 = arith.cmpi eq, %arg1, %eq3A_51 : i32
      %convert_element_type3A_53 = arith.extui %eq3A_52 : i1 to i32
      %cond3A_54 = arith.constant 0 : i32
      %cond3A_55 = arith.cmpi ne, %convert_element_type3A_53, %cond3A_54 : i32
      scf.if %cond3A_55 {
        "tpu.region"() ({
          %run_scoped3A = tpu.sem_alloc : memref<!tpu.dma_semaphore, #tpu.memory_space<semaphore_mem>>
          %dma_start3A_56 = arith.constant 9360 : i32
          %dma_start3A_57 = arith.constant 0 : i32
          %dma_start3A_58 = tpu.memref_slice %arg13[%dma_start3A_56, %dma_start3A_57] : memref<10128x128xf32, #tpu.memory_space<vmem_shared>> -> memref<640x128xf32, #tpu.memory_space<vmem_shared>>
          %dma_start3A_59 = arith.constant 9360 : i32
          %dma_start3A_60 = arith.constant 0 : i32
          %dma_start3A_61 = tpu.memref_slice %arg2[%dma_start3A_59, %dma_start3A_60] : memref<10000x128xf32, #tpu.memory_space<hbm>> -> memref<640x128xf32, #tpu.memory_space<hbm>>
          tpu.enqueue_dma source(%dma_start3A_61 : memref<640x128xf32, #tpu.memory_space<hbm>>) target(%dma_start3A_58 : memref<640x128xf32, #tpu.memory_space<vmem_shared>>) target_semaphore(%run_scoped3A : memref<!tpu.dma_semaphore, #tpu.memory_space<semaphore_mem>>)
          %dma_wait3A_62 = arith.constant 9360 : i32
          %dma_wait3A_63 = arith.constant 0 : i32
          %dma_wait3A_64 = tpu.memref_slice %arg13[%dma_wait3A_62, %dma_wait3A_63] : memref<10128x128xf32, #tpu.memory_space<vmem_shared>> -> memref<640x128xf32, #tpu.memory_space<vmem_shared>>
          %dma_wait3A_65 = arith.constant 9360 : i32
          %dma_wait3A_66 = arith.constant 0 : i32
          %dma_wait3A_67 = tpu.memref_slice %arg2[%dma_wait3A_65, %dma_wait3A_66] : memref<10000x128xf32, #tpu.memory_space<hbm>> -> memref<640x128xf32, #tpu.memory_space<hbm>>
          tpu.wait_dma2 semaphore(%run_scoped3A : memref<!tpu.dma_semaphore, #tpu.memory_space<semaphore_mem>>) src(%dma_wait3A_67 : memref<640x128xf32, #tpu.memory_space<hbm>>) dst(%dma_wait3A_64 : memref<640x128xf32, #tpu.memory_space<vmem_shared>>)
          tpu.yield
        }) : () -> ()
      } else {
      }
    } else {
    }
    %ne3A = arith.constant 0 : i32
    %ne3A_3 = arith.cmpi ne, %arg0, %ne3A : i32
    %convert_element_type3A_4 = arith.extui %ne3A_3 : i1 to i32
    %cond3A_5 = arith.constant 0 : i32
    %cond3A_6 = arith.cmpi ne, %convert_element_type3A_4, %cond3A_5 : i32
    scf.if %cond3A_6 {
      %mul3A_43 = arith.constant 624 : i32
      %mul3A_44 = arith.muli %arg1, %mul3A_43 : i32
      %multiple_of3A_45 = tpu.assume_multiple %mul3A_44, 8 : i32
      %lt3A_46 = arith.constant 15 : i32
      %lt3A_47 = arith.cmpi slt, %arg1, %lt3A_46 : i32
      %convert_element_type3A_48 = arith.extui %lt3A_47 : i1 to i32
      %cond3A_49 = arith.constant 0 : i32
      %cond3A_50 = arith.cmpi ne, %convert_element_type3A_48, %cond3A_49 : i32
      scf.if %cond3A_50 {
        "tpu.region"() ({
          %run_scoped3A = tpu.sem_alloc : memref<!tpu.dma_semaphore, #tpu.memory_space<semaphore_mem>>
          %dma_start3A_56 = arith.constant 0 : i32
          %dma_start3A_57 = tpu.memref_slice %arg13[%multiple_of3A_45, %dma_start3A_56] : memref<10128x128xf32, #tpu.memory_space<vmem_shared>> -> memref<624x128xf32, #tpu.memory_space<vmem_shared>>
          %dma_start3A_58 = arith.constant 0 : i32
          %dma_start3A_59 = tpu.memref_slice %arg3[%multiple_of3A_45, %dma_start3A_58] : memref<10000x128xf32, #tpu.memory_space<hbm>> -> memref<624x128xf32, #tpu.memory_space<hbm>>
          tpu.enqueue_dma source(%dma_start3A_59 : memref<624x128xf32, #tpu.memory_space<hbm>>) target(%dma_start3A_57 : memref<624x128xf32, #tpu.memory_space<vmem_shared>>) target_semaphore(%run_scoped3A : memref<!tpu.dma_semaphore, #tpu.memory_space<semaphore_mem>>)
          %dma_wait3A_60 = arith.constant 0 : i32
          %dma_wait3A_61 = tpu.memref_slice %arg13[%multiple_of3A_45, %dma_wait3A_60] : memref<10128x128xf32, #tpu.memory_space<vmem_shared>> -> memref<624x128xf32, #tpu.memory_space<vmem_shared>>
          %dma_wait3A_62 = arith.constant 0 : i32
          %dma_wait3A_63 = tpu.memref_slice %arg3[%multiple_of3A_45, %dma_wait3A_62] : memref<10000x128xf32, #tpu.memory_space<hbm>> -> memref<624x128xf32, #tpu.memory_space<hbm>>
          tpu.wait_dma2 semaphore(%run_scoped3A : memref<!tpu.dma_semaphore, #tpu.memory_space<semaphore_mem>>) src(%dma_wait3A_63 : memref<624x128xf32, #tpu.memory_space<hbm>>) dst(%dma_wait3A_61 : memref<624x128xf32, #tpu.memory_space<vmem_shared>>)
          tpu.yield
        }) : () -> ()
      } else {
      }
      %eq3A_51 = arith.constant 15 : i32
      %eq3A_52 = arith.cmpi eq, %arg1, %eq3A_51 : i32
      %convert_element_type3A_53 = arith.extui %eq3A_52 : i1 to i32
      %cond3A_54 = arith.constant 0 : i32
      %cond3A_55 = arith.cmpi ne, %convert_element_type3A_53, %cond3A_54 : i32
      scf.if %cond3A_55 {
        "tpu.region"() ({
          %run_scoped3A = tpu.sem_alloc : memref<!tpu.dma_semaphore, #tpu.memory_space<semaphore_mem>>
          %dma_start3A_56 = arith.constant 9360 : i32
          %dma_start3A_57 = arith.constant 0 : i32
          %dma_start3A_58 = tpu.memref_slice %arg13[%dma_start3A_56, %dma_start3A_57] : memref<10128x128xf32, #tpu.memory_space<vmem_shared>> -> memref<640x128xf32, #tpu.memory_space<vmem_shared>>
          %dma_start3A_59 = arith.constant 9360 : i32
          %dma_start3A_60 = arith.constant 0 : i32
          %dma_start3A_61 = tpu.memref_slice %arg3[%dma_start3A_59, %dma_start3A_60] : memref<10000x128xf32, #tpu.memory_space<hbm>> -> memref<640x128xf32, #tpu.memory_space<hbm>>
          tpu.enqueue_dma source(%dma_start3A_61 : memref<640x128xf32, #tpu.memory_space<hbm>>) target(%dma_start3A_58 : memref<640x128xf32, #tpu.memory_space<vmem_shared>>) target_semaphore(%run_scoped3A : memref<!tpu.dma_semaphore, #tpu.memory_space<semaphore_mem>>)
          %dma_wait3A_62 = arith.constant 9360 : i32
          %dma_wait3A_63 = arith.constant 0 : i32
          %dma_wait3A_64 = tpu.memref_slice %arg13[%dma_wait3A_62, %dma_wait3A_63] : memref<10128x128xf32, #tpu.memory_space<vmem_shared>> -> memref<640x128xf32, #tpu.memory_space<vmem_shared>>
          %dma_wait3A_65 = arith.constant 9360 : i32
          %dma_wait3A_66 = arith.constant 0 : i32
          %dma_wait3A_67 = tpu.memref_slice %arg3[%dma_wait3A_65, %dma_wait3A_66] : memref<10000x128xf32, #tpu.memory_space<hbm>> -> memref<640x128xf32, #tpu.memory_space<hbm>>
          tpu.wait_dma2 semaphore(%run_scoped3A : memref<!tpu.dma_semaphore, #tpu.memory_space<semaphore_mem>>) src(%dma_wait3A_67 : memref<640x128xf32, #tpu.memory_space<hbm>>) dst(%dma_wait3A_64 : memref<640x128xf32, #tpu.memory_space<vmem_shared>>)
          tpu.yield
        }) : () -> ()
      } else {
      }
    } else {
    }
    "tpu.region"() ({
      %run_scoped3A = tpu.sem_alloc : memref<!tpu.dma_semaphore, #tpu.memory_space<semaphore_mem>>
      %dma_start3A_43 = arith.constant 0 : i32
      %dma_start3A_44 = arith.constant 0 : i32
      %dma_start3A_45 = tpu.memref_slice %arg4[%add3A, %dma_start3A_43, %dma_start3A_44] : memref<32x79x128xi32, #tpu.memory_space<hbm>> -> memref<1x79x128xi32, #tpu.memory_space<hbm>>
      %dma_start3A_46 = tpu.memref_squeeze %dma_start3A_45 : memref<1x79x128xi32, #tpu.memory_space<hbm>> -> memref<79x128xi32, #tpu.memory_space<hbm>>
      %dma_start3A_47 = arith.constant 0 : i32
      %dma_start3A_48 = arith.constant 0 : i32
      %dma_start3A_49 = tpu.memref_slice %arg4[%add3A, %dma_start3A_47, %dma_start3A_48] : memref<32x79x128xi32, #tpu.memory_space<hbm>> -> memref<1x79x128xi32, #tpu.memory_space<hbm>>
      %dma_start3A_50 = tpu.memref_squeeze %dma_start3A_49 : memref<1x79x128xi32, #tpu.memory_space<hbm>> -> memref<79x128xi32, #tpu.memory_space<hbm>>
      tpu.enqueue_dma source(%dma_start3A_50 : memref<79x128xi32, #tpu.memory_space<hbm>>) target(%arg6 : memref<79x128xi32, #tpu.memory_space<vmem>>) target_semaphore(%run_scoped3A : memref<!tpu.dma_semaphore, #tpu.memory_space<semaphore_mem>>)
      %dma_wait3A_51 = arith.constant 0 : i32
      %dma_wait3A_52 = arith.constant 0 : i32
      %dma_wait3A_53 = tpu.memref_slice %arg4[%add3A, %dma_wait3A_51, %dma_wait3A_52] : memref<32x79x128xi32, #tpu.memory_space<hbm>> -> memref<1x79x128xi32, #tpu.memory_space<hbm>>
      %dma_wait3A_54 = tpu.memref_squeeze %dma_wait3A_53 : memref<1x79x128xi32, #tpu.memory_space<hbm>> -> memref<79x128xi32, #tpu.memory_space<hbm>>
      %dma_wait3A_55 = arith.constant 0 : i32
      %dma_wait3A_56 = arith.constant 0 : i32
      %dma_wait3A_57 = tpu.memref_slice %arg4[%add3A, %dma_wait3A_55, %dma_wait3A_56] : memref<32x79x128xi32, #tpu.memory_space<hbm>> -> memref<1x79x128xi32, #tpu.memory_space<hbm>>
      %dma_wait3A_58 = tpu.memref_squeeze %dma_wait3A_57 : memref<1x79x128xi32, #tpu.memory_space<hbm>> -> memref<79x128xi32, #tpu.memory_space<hbm>>
      tpu.wait_dma2 semaphore(%run_scoped3A : memref<!tpu.dma_semaphore, #tpu.memory_space<semaphore_mem>>) src(%dma_wait3A_58 : memref<79x128xi32, #tpu.memory_space<hbm>>) dst(%arg6 : memref<79x128xi32, #tpu.memory_space<vmem>>)
      tpu.yield
    }) : () -> ()
    %barrier3A = arith.constant 0 : index
    tpu.barrier barrier_id(%barrier3A)
    %scan3A = arith.constant 0 : i32
    %scan3A_7 = arith.constant 8 : i32
    %scan3A_8 = arith.addi %scan3A, %scan3A_7 : i32
    %scan3A_9 = arith.constant 1 : i32
    scf.for %scan3A_43 = %scan3A to %scan3A_8 step %scan3A_9  : i32 {
      %mul3A_44 = arith.constant 16 : i32
      %mul3A_45 = arith.muli %scan3A_43, %mul3A_44 : i32
      %add3A_46 = arith.constant 0 : i32
      %add3A_47 = arith.addi %add3A_46, %mul3A_45 : i32
      %multiple_of3A_48 = tpu.assume_multiple %add3A_47, 8 : i32
      %get3A = arith.constant 0 : i32
      %get3A_49 = arith.index_cast %get3A : i32 to index
      %get3A_50 = arith.index_cast %multiple_of3A_48 : i32 to index
      %get3A_51 = tpu.vector_load %arg6[%get3A_49, %get3A_50] {strides = array<i32>} : memref<79x128xi32, #tpu.memory_space<vmem>>, vector<1x16xi32>,
      %get3A_52 = vector.shape_cast %get3A_51 : vector<1x16xi32> to vector<16xi32>
      %and3A = arith.constant 16383 : i32
      %and3A_53 = vector.broadcast %and3A : i32 to vector<16xi32>
      %and3A_54 = arith.andi %get3A_52, %and3A_53 : vector<16xi32>
      %swap3A = arith.index_cast %multiple_of3A_48 : i32 to index
      %swap3A_55 = tpu.vector_load %arg7[%swap3A] {strides = array<i32>} : memref<128xi32, #tpu.memory_space<vmem>>, vector<16xi32>,
      %swap3A_56 = vector.shape_cast %swap3A_55 : vector<16xi32> to vector<16xi32>
      %swap3A_57 = vector.shape_cast %and3A_54 : vector<16xi32> to vector<16xi32>
      tpu.vector_store %arg7[%swap3A], %swap3A_57 {strides = array<i32>} : memref<128xi32, #tpu.memory_space<vmem>>, vector<16xi32>,
      %shift_right_logical3A = arith.constant 14 : i32
      %shift_right_logical3A_58 = vector.broadcast %shift_right_logical3A : i32 to vector<16xi32>
      %shift_right_logical3A_59 = arith.shrui %get3A_52, %shift_right_logical3A_58 : vector<16xi32>
      %swap3A_60 = arith.index_cast %multiple_of3A_48 : i32 to index
      %swap3A_61 = tpu.vector_load %arg8[%swap3A_60] {strides = array<i32>} : memref<128xi32, #tpu.memory_space<vmem>>, vector<16xi32>,
      %swap3A_62 = vector.shape_cast %swap3A_61 : vector<16xi32> to vector<16xi32>
      %swap3A_63 = vector.shape_cast %shift_right_logical3A_59 : vector<16xi32> to vector<16xi32>
      tpu.vector_store %arg8[%swap3A_60], %swap3A_63 {strides = array<i32>} : memref<128xi32, #tpu.memory_space<vmem>>, vector<16xi32>,
    }
    %scan3A_10 = arith.constant 8 : i32
    %dma_start3A = arith.constant 0 : i32
    %dma_start3A_11 = arith.constant 0 : i32
    %dma_start3A_12 = tpu.memref_slice %arg2[%dma_start3A, %dma_start3A_11] : memref<10000x128xf32, #tpu.memory_space<hbm>> -> memref<10000x128xf32, #tpu.memory_space<hbm>>
    tpu.enqueue_indirect_dma source(%dma_start3A_12 : memref<10000x128xf32, #tpu.memory_space<hbm>>) target(%arg11 : memref<128x128xf32, #tpu.memory_space<vmem>>) offsets(%arg7 : memref<128xi32, #tpu.memory_space<vmem>>) semaphore(%arg14 : memref<!tpu.dma_semaphore, #tpu.memory_space<semaphore_mem>>)
    %scan3A_13 = arith.constant 0 : i32
    %scan3A_14 = arith.constant 8 : i32
    %scan3A_15 = arith.addi %scan3A_13, %scan3A_14 : i32
    %scan3A_16 = arith.constant 1 : i32
    scf.for %scan3A_43 = %scan3A_13 to %scan3A_15 step %scan3A_16  : i32 {
      %mul3A_44 = arith.constant 16 : i32
      %mul3A_45 = arith.muli %scan3A_43, %mul3A_44 : i32
      %add3A_46 = arith.constant 0 : i32
      %add3A_47 = arith.addi %add3A_46, %mul3A_45 : i32
      %multiple_of3A_48 = tpu.assume_multiple %add3A_47, 8 : i32
      %get3A = arith.constant 1 : i32
      %get3A_49 = arith.index_cast %get3A : i32 to index
      %get3A_50 = arith.index_cast %multiple_of3A_48 : i32 to index
      %get3A_51 = tpu.vector_load %arg6[%get3A_49, %get3A_50] {strides = array<i32>} : memref<79x128xi32, #tpu.memory_space<vmem>>, vector<1x16xi32>,
      %get3A_52 = vector.shape_cast %get3A_51 : vector<1x16xi32> to vector<16xi32>
      %and3A = arith.constant 16383 : i32
      %and3A_53 = vector.broadcast %and3A : i32 to vector<16xi32>
      %and3A_54 = arith.andi %get3A_52, %and3A_53 : vector<16xi32>
      %swap3A = arith.index_cast %multiple_of3A_48 : i32 to index
      %swap3A_55 = tpu.vector_load %arg9[%swap3A] {strides = array<i32>} : memref<128xi32, #tpu.memory_space<vmem>>, vector<16xi32>,
      %swap3A_56 = vector.shape_cast %swap3A_55 : vector<16xi32> to vector<16xi32>
      %swap3A_57 = vector.shape_cast %and3A_54 : vector<16xi32> to vector<16xi32>
      tpu.vector_store %arg9[%swap3A], %swap3A_57 {strides = array<i32>} : memref<128xi32, #tpu.memory_space<vmem>>, vector<16xi32>,
      %shift_right_logical3A = arith.constant 14 : i32
      %shift_right_logical3A_58 = vector.broadcast %shift_right_logical3A : i32 to vector<16xi32>
      %shift_right_logical3A_59 = arith.shrui %get3A_52, %shift_right_logical3A_58 : vector<16xi32>
      %swap3A_60 = arith.index_cast %multiple_of3A_48 : i32 to index
      %swap3A_61 = tpu.vector_load %arg10[%swap3A_60] {strides = array<i32>} : memref<128xi32, #tpu.memory_space<vmem>>, vector<16xi32>,
      %swap3A_62 = vector.shape_cast %swap3A_61 : vector<16xi32> to vector<16xi32>
      %swap3A_63 = vector.shape_cast %shift_right_logical3A_59 : vector<16xi32> to vector<16xi32>
      tpu.vector_store %arg10[%swap3A_60], %swap3A_63 {strides = array<i32>} : memref<128xi32, #tpu.memory_space<vmem>>, vector<16xi32>,
    }
    %scan3A_17 = arith.constant 8 : i32
    %dma_start3A_18 = arith.constant 0 : i32
    %dma_start3A_19 = arith.constant 0 : i32
    %dma_start3A_20 = tpu.memref_slice %arg2[%dma_start3A_18, %dma_start3A_19] : memref<10000x128xf32, #tpu.memory_space<hbm>> -> memref<10000x128xf32, #tpu.memory_space<hbm>>
    tpu.enqueue_indirect_dma source(%dma_start3A_20 : memref<10000x128xf32, #tpu.memory_space<hbm>>) target(%arg12 : memref<128x128xf32, #tpu.memory_space<vmem>>) offsets(%arg9 : memref<128xi32, #tpu.memory_space<vmem>>) semaphore(%arg15 : memref<!tpu.dma_semaphore, #tpu.memory_space<semaphore_mem>>)
    %scan3A_21 = arith.constant 0 : i32
    %scan3A_22 = arith.constant 40 : i32
    %scan3A_23 = arith.addi %scan3A_21, %scan3A_22 : i32
    %scan3A_24 = arith.constant 1 : i32
    scf.for %scan3A_43 = %scan3A_21 to %scan3A_23 step %scan3A_24  : i32 {
      %mul3A_44 = arith.constant 2 : i32
      %mul3A_45 = arith.muli %scan3A_43, %mul3A_44 : i32
      %add3A_46 = arith.constant 0 : i32
      %add3A_47 = arith.addi %add3A_46, %mul3A_45 : i32
      %dma_wait3A_48 = arith.constant 0 : i32
      %dma_wait3A_49 = arith.constant 0 : i32
      %dma_wait3A_50 = tpu.memref_slice %arg2[%dma_wait3A_48, %dma_wait3A_49] : memref<10000x128xf32, #tpu.memory_space<hbm>> -> memref<10000x128xf32, #tpu.memory_space<hbm>>
      tpu.wait_indirect_dma semaphore(%arg14 : memref<!tpu.dma_semaphore, #tpu.memory_space<semaphore_mem>>) src(%dma_wait3A_50 : memref<10000x128xf32, #tpu.memory_space<hbm>>) dst(%arg11 : memref<128x128xf32, #tpu.memory_space<vmem>>)
      %dma_start3A_51 = arith.constant 0 : i32
      %dma_start3A_52 = arith.constant 0 : i32
      %dma_start3A_53 = tpu.memref_slice %arg13[%dma_start3A_51, %dma_start3A_52] : memref<10128x128xf32, #tpu.memory_space<vmem_shared>> -> memref<10128x128xf32, #tpu.memory_space<vmem_shared>>
      tpu.enqueue_indirect_dma source(%arg11 : memref<128x128xf32, #tpu.memory_space<vmem>>) target(%dma_start3A_53 : memref<10128x128xf32, #tpu.memory_space<vmem_shared>>) offsets(%arg8 : memref<128xi32, #tpu.memory_space<vmem>>) semaphore(%arg16 : memref<!tpu.dma_semaphore, #tpu.memory_space<semaphore_mem>>) {add = true}
      %add3A_54 = arith.constant 1 : i32
      %add3A_55 = arith.addi %add3A_47, %add3A_54 : i32
      %lt3A_56 = arith.constant 79 : i32
      %lt3A_57 = arith.cmpi slt, %add3A_55, %lt3A_56 : i32
      %convert_element_type3A_58 = arith.extui %lt3A_57 : i1 to i32
      %cond3A_59 = arith.constant 0 : i32
      %cond3A_60 = arith.cmpi ne, %convert_element_type3A_58, %cond3A_59 : i32
      scf.if %cond3A_60 {
        %dma_wait3A_75 = arith.constant 0 : i32
        %dma_wait3A_76 = arith.constant 0 : i32
        %dma_wait3A_77 = tpu.memref_slice %arg2[%dma_wait3A_75, %dma_wait3A_76] : memref<10000x128xf32, #tpu.memory_space<hbm>> -> memref<10000x128xf32, #tpu.memory_space<hbm>>
        tpu.wait_indirect_dma semaphore(%arg15 : memref<!tpu.dma_semaphore, #tpu.memory_space<semaphore_mem>>) src(%dma_wait3A_77 : memref<10000x128xf32, #tpu.memory_space<hbm>>) dst(%arg12 : memref<128x128xf32, #tpu.memory_space<vmem>>)
        %dma_start3A_78 = arith.constant 0 : i32
        %dma_start3A_79 = arith.constant 0 : i32
        %dma_start3A_80 = tpu.memref_slice %arg13[%dma_start3A_78, %dma_start3A_79] : memref<10128x128xf32, #tpu.memory_space<vmem_shared>> -> memref<10128x128xf32, #tpu.memory_space<vmem_shared>>
        tpu.enqueue_indirect_dma source(%arg12 : memref<128x128xf32, #tpu.memory_space<vmem>>) target(%dma_start3A_80 : memref<10128x128xf32, #tpu.memory_space<vmem_shared>>) offsets(%arg10 : memref<128xi32, #tpu.memory_space<vmem>>) semaphore(%arg17 : memref<!tpu.dma_semaphore, #tpu.memory_space<semaphore_mem>>) {add = true}
      } else {
      }
      %add3A_61 = arith.constant 2 : i32
      %add3A_62 = arith.addi %add3A_47, %add3A_61 : i32
      %lt3A_63 = arith.constant 79 : i32
      %lt3A_64 = arith.cmpi slt, %add3A_62, %lt3A_63 : i32
      %convert_element_type3A_65 = arith.extui %lt3A_64 : i1 to i32
      %cond3A_66 = arith.constant 0 : i32
      %cond3A_67 = arith.cmpi ne, %convert_element_type3A_65, %cond3A_66 : i32
      scf.if %cond3A_67 {
        %dma_wait3A_75 = arith.constant 0 : i32
        %dma_wait3A_76 = arith.constant 0 : i32
        %dma_wait3A_77 = tpu.memref_slice %arg13[%dma_wait3A_75, %dma_wait3A_76] : memref<10128x128xf32, #tpu.memory_space<vmem_shared>> -> memref<10128x128xf32, #tpu.memory_space<vmem_shared>>
        tpu.wait_indirect_dma semaphore(%arg16 : memref<!tpu.dma_semaphore, #tpu.memory_space<semaphore_mem>>) src(%arg11 : memref<128x128xf32, #tpu.memory_space<vmem>>) dst(%dma_wait3A_77 : memref<10128x128xf32, #tpu.memory_space<vmem_shared>>)
        %add3A_78 = arith.constant 2 : i32
        %add3A_79 = arith.addi %add3A_47, %add3A_78 : i32
        %scan3A_80 = arith.constant 0 : i32
        %scan3A_81 = arith.constant 8 : i32
        %scan3A_82 = arith.addi %scan3A_80, %scan3A_81 : i32
        %scan3A_83 = arith.constant 1 : i32
        scf.for %scan3A_88 = %scan3A_80 to %scan3A_82 step %scan3A_83  : i32 {
          %mul3A_89 = arith.constant 16 : i32
          %mul3A_90 = arith.muli %scan3A_88, %mul3A_89 : i32
          %add3A_91 = arith.constant 0 : i32
          %add3A_92 = arith.addi %add3A_91, %mul3A_90 : i32
          %multiple_of3A_93 = tpu.assume_multiple %add3A_92, 8 : i32
          %get3A = arith.index_cast %add3A_79 : i32 to index
          %get3A_94 = arith.index_cast %multiple_of3A_93 : i32 to index
          %get3A_95 = tpu.vector_load %arg6[%get3A, %get3A_94] {strides = array<i32>} : memref<79x128xi32, #tpu.memory_space<vmem>>, vector<1x16xi32>,
          %get3A_96 = vector.shape_cast %get3A_95 : vector<1x16xi32> to vector<16xi32>
          %and3A = arith.constant 16383 : i32
          %and3A_97 = vector.broadcast %and3A : i32 to vector<16xi32>
          %and3A_98 = arith.andi %get3A_96, %and3A_97 : vector<16xi32>
          %swap3A = arith.index_cast %multiple_of3A_93 : i32 to index
          %swap3A_99 = tpu.vector_load %arg7[%swap3A] {strides = array<i32>} : memref<128xi32, #tpu.memory_space<vmem>>, vector<16xi32>,
          %swap3A_100 = vector.shape_cast %swap3A_99 : vector<16xi32> to vector<16xi32>
          %swap3A_101 = vector.shape_cast %and3A_98 : vector<16xi32> to vector<16xi32>
          tpu.vector_store %arg7[%swap3A], %swap3A_101 {strides = array<i32>} : memref<128xi32, #tpu.memory_space<vmem>>, vector<16xi32>,
          %shift_right_logical3A = arith.constant 14 : i32
          %shift_right_logical3A_102 = vector.broadcast %shift_right_logical3A : i32 to vector<16xi32>
          %shift_right_logical3A_103 = arith.shrui %get3A_96, %shift_right_logical3A_102 : vector<16xi32>
          %swap3A_104 = arith.index_cast %multiple_of3A_93 : i32 to index
          %swap3A_105 = tpu.vector_load %arg8[%swap3A_104] {strides = array<i32>} : memref<128xi32, #tpu.memory_space<vmem>>, vector<16xi32>,
          %swap3A_106 = vector.shape_cast %swap3A_105 : vector<16xi32> to vector<16xi32>
          %swap3A_107 = vector.shape_cast %shift_right_logical3A_103 : vector<16xi32> to vector<16xi32>
          tpu.vector_store %arg8[%swap3A_104], %swap3A_107 {strides = array<i32>} : memref<128xi32, #tpu.memory_space<vmem>>, vector<16xi32>,
        }
        %scan3A_84 = arith.constant 8 : i32
        %dma_start3A_85 = arith.constant 0 : i32
        %dma_start3A_86 = arith.constant 0 : i32
        %dma_start3A_87 = tpu.memref_slice %arg2[%dma_start3A_85, %dma_start3A_86] : memref<10000x128xf32, #tpu.memory_space<hbm>> -> memref<10000x128xf32, #tpu.memory_space<hbm>>
        tpu.enqueue_indirect_dma source(%dma_start3A_87 : memref<10000x128xf32, #tpu.memory_space<hbm>>) target(%arg11 : memref<128x128xf32, #tpu.memory_space<vmem>>) offsets(%arg7 : memref<128xi32, #tpu.memory_space<vmem>>) semaphore(%arg14 : memref<!tpu.dma_semaphore, #tpu.memory_space<semaphore_mem>>)
      } else {
      }
      %add3A_68 = arith.constant 3 : i32
      %add3A_69 = arith.addi %add3A_47, %add3A_68 : i32
      %lt3A_70 = arith.constant 79 : i32
      %lt3A_71 = arith.cmpi slt, %add3A_69, %lt3A_70 : i32
      %convert_element_type3A_72 = arith.extui %lt3A_71 : i1 to i32
      %cond3A_73 = arith.constant 0 : i32
      %cond3A_74 = arith.cmpi ne, %convert_element_type3A_72, %cond3A_73 : i32
      scf.if %cond3A_74 {
        %dma_wait3A_75 = arith.constant 0 : i32
        %dma_wait3A_76 = arith.constant 0 : i32
        %dma_wait3A_77 = tpu.memref_slice %arg13[%dma_wait3A_75, %dma_wait3A_76] : memref<10128x128xf32, #tpu.memory_space<vmem_shared>> -> memref<10128x128xf32, #tpu.memory_space<vmem_shared>>
        tpu.wait_indirect_dma semaphore(%arg17 : memref<!tpu.dma_semaphore, #tpu.memory_space<semaphore_mem>>) src(%arg12 : memref<128x128xf32, #tpu.memory_space<vmem>>) dst(%dma_wait3A_77 : memref<10128x128xf32, #tpu.memory_space<vmem_shared>>)
        %add3A_78 = arith.constant 3 : i32
        %add3A_79 = arith.addi %add3A_47, %add3A_78 : i32
        %scan3A_80 = arith.constant 0 : i32
        %scan3A_81 = arith.constant 8 : i32
        %scan3A_82 = arith.addi %scan3A_80, %scan3A_81 : i32
        %scan3A_83 = arith.constant 1 : i32
        scf.for %scan3A_88 = %scan3A_80 to %scan3A_82 step %scan3A_83  : i32 {
          %mul3A_89 = arith.constant 16 : i32
          %mul3A_90 = arith.muli %scan3A_88, %mul3A_89 : i32
          %add3A_91 = arith.constant 0 : i32
          %add3A_92 = arith.addi %add3A_91, %mul3A_90 : i32
          %multiple_of3A_93 = tpu.assume_multiple %add3A_92, 8 : i32
          %get3A = arith.index_cast %add3A_79 : i32 to index
          %get3A_94 = arith.index_cast %multiple_of3A_93 : i32 to index
          %get3A_95 = tpu.vector_load %arg6[%get3A, %get3A_94] {strides = array<i32>} : memref<79x128xi32, #tpu.memory_space<vmem>>, vector<1x16xi32>,
          %get3A_96 = vector.shape_cast %get3A_95 : vector<1x16xi32> to vector<16xi32>
          %and3A = arith.constant 16383 : i32
          %and3A_97 = vector.broadcast %and3A : i32 to vector<16xi32>
          %and3A_98 = arith.andi %get3A_96, %and3A_97 : vector<16xi32>
          %swap3A = arith.index_cast %multiple_of3A_93 : i32 to index
          %swap3A_99 = tpu.vector_load %arg9[%swap3A] {strides = array<i32>} : memref<128xi32, #tpu.memory_space<vmem>>, vector<16xi32>,
          %swap3A_100 = vector.shape_cast %swap3A_99 : vector<16xi32> to vector<16xi32>
          %swap3A_101 = vector.shape_cast %and3A_98 : vector<16xi32> to vector<16xi32>
          tpu.vector_store %arg9[%swap3A], %swap3A_101 {strides = array<i32>} : memref<128xi32, #tpu.memory_space<vmem>>, vector<16xi32>,
          %shift_right_logical3A = arith.constant 14 : i32
          %shift_right_logical3A_102 = vector.broadcast %shift_right_logical3A : i32 to vector<16xi32>
          %shift_right_logical3A_103 = arith.shrui %get3A_96, %shift_right_logical3A_102 : vector<16xi32>
          %swap3A_104 = arith.index_cast %multiple_of3A_93 : i32 to index
          %swap3A_105 = tpu.vector_load %arg10[%swap3A_104] {strides = array<i32>} : memref<128xi32, #tpu.memory_space<vmem>>, vector<16xi32>,
          %swap3A_106 = vector.shape_cast %swap3A_105 : vector<16xi32> to vector<16xi32>
          %swap3A_107 = vector.shape_cast %shift_right_logical3A_103 : vector<16xi32> to vector<16xi32>
          tpu.vector_store %arg10[%swap3A_104], %swap3A_107 {strides = array<i32>} : memref<128xi32, #tpu.memory_space<vmem>>, vector<16xi32>,
        }
        %scan3A_84 = arith.constant 8 : i32
        %dma_start3A_85 = arith.constant 0 : i32
        %dma_start3A_86 = arith.constant 0 : i32
        %dma_start3A_87 = tpu.memref_slice %arg2[%dma_start3A_85, %dma_start3A_86] : memref<10000x128xf32, #tpu.memory_space<hbm>> -> memref<10000x128xf32, #tpu.memory_space<hbm>>
        tpu.enqueue_indirect_dma source(%dma_start3A_87 : memref<10000x128xf32, #tpu.memory_space<hbm>>) target(%arg12 : memref<128x128xf32, #tpu.memory_space<vmem>>) offsets(%arg9 : memref<128xi32, #tpu.memory_space<vmem>>) semaphore(%arg15 : memref<!tpu.dma_semaphore, #tpu.memory_space<semaphore_mem>>)
      } else {
      }
    }
    %scan3A_25 = arith.constant 40 : i32
    %dma_wait3A = arith.constant 0 : i32
    %dma_wait3A_26 = arith.constant 0 : i32
    %dma_wait3A_27 = tpu.memref_slice %arg13[%dma_wait3A, %dma_wait3A_26] : memref<10128x128xf32, #tpu.memory_space<vmem_shared>> -> memref<10128x128xf32, #tpu.memory_space<vmem_shared>>
    tpu.wait_indirect_dma semaphore(%arg16 : memref<!tpu.dma_semaphore, #tpu.memory_space<semaphore_mem>>) src(%arg11 : memref<128x128xf32, #tpu.memory_space<vmem>>) dst(%dma_wait3A_27 : memref<10128x128xf32, #tpu.memory_space<vmem_shared>>)
    %dma_wait3A_28 = arith.constant 0 : i32
    %dma_wait3A_29 = arith.constant 0 : i32
    %dma_wait3A_30 = tpu.memref_slice %arg13[%dma_wait3A_28, %dma_wait3A_29] : memref<10128x128xf32, #tpu.memory_space<vmem_shared>> -> memref<10128x128xf32, #tpu.memory_space<vmem_shared>>
    tpu.wait_indirect_dma semaphore(%arg17 : memref<!tpu.dma_semaphore, #tpu.memory_space<semaphore_mem>>) src(%arg12 : memref<128x128xf32, #tpu.memory_space<vmem>>) dst(%dma_wait3A_30 : memref<10128x128xf32, #tpu.memory_space<vmem_shared>>)
    %barrier3A_31 = arith.constant 0 : index
    tpu.barrier barrier_id(%barrier3A_31)
    %mul3A_32 = arith.constant 624 : i32
    %mul3A_33 = arith.muli %arg1, %mul3A_32 : i32
    %multiple_of3A = tpu.assume_multiple %mul3A_33, 8 : i32
    %lt3A = arith.constant 15 : i32
    %lt3A_34 = arith.cmpi slt, %arg1, %lt3A : i32
    %convert_element_type3A_35 = arith.extui %lt3A_34 : i1 to i32
    %cond3A_36 = arith.constant 0 : i32
    %cond3A_37 = arith.cmpi ne, %convert_element_type3A_35, %cond3A_36 : i32
    scf.if %cond3A_37 {
      "tpu.region"() ({
        %run_scoped3A = tpu.sem_alloc : memref<!tpu.dma_semaphore, #tpu.memory_space<semaphore_mem>>
        %dma_start3A_43 = arith.constant 0 : i32
        %dma_start3A_44 = arith.constant 0 : i32
        %dma_start3A_45 = tpu.memref_slice %arg5[%arg0, %dma_start3A_43, %dma_start3A_44] : memref<2x10000x128xf32, #tpu.memory_space<hbm>> -> memref<1x10000x128xf32, #tpu.memory_space<hbm>>
        %dma_start3A_46 = tpu.memref_squeeze %dma_start3A_45 : memref<1x10000x128xf32, #tpu.memory_space<hbm>> -> memref<10000x128xf32, #tpu.memory_space<hbm>>
        %dma_start3A_47 = arith.constant 0 : i32
        %dma_start3A_48 = tpu.memref_slice %dma_start3A_46[%multiple_of3A, %dma_start3A_47] : memref<10000x128xf32, #tpu.memory_space<hbm>> -> memref<624x128xf32, #tpu.memory_space<hbm>>
        %dma_start3A_49 = arith.constant 0 : i32
        %dma_start3A_50 = tpu.memref_slice %arg13[%multiple_of3A, %dma_start3A_49] : memref<10128x128xf32, #tpu.memory_space<vmem_shared>> -> memref<624x128xf32, #tpu.memory_space<vmem_shared>>
        tpu.enqueue_dma source(%dma_start3A_50 : memref<624x128xf32, #tpu.memory_space<vmem_shared>>) target(%dma_start3A_48 : memref<624x128xf32, #tpu.memory_space<hbm>>) target_semaphore(%run_scoped3A : memref<!tpu.dma_semaphore, #tpu.memory_space<semaphore_mem>>)
        %dma_wait3A_51 = arith.constant 0 : i32
        %dma_wait3A_52 = arith.constant 0 : i32
        %dma_wait3A_53 = tpu.memref_slice %arg5[%arg0, %dma_wait3A_51, %dma_wait3A_52] : memref<2x10000x128xf32, #tpu.memory_space<hbm>> -> memref<1x10000x128xf32, #tpu.memory_space<hbm>>
        %dma_wait3A_54 = tpu.memref_squeeze %dma_wait3A_53 : memref<1x10000x128xf32, #tpu.memory_space<hbm>> -> memref<10000x128xf32, #tpu.memory_space<hbm>>
        %dma_wait3A_55 = arith.constant 0 : i32
        %dma_wait3A_56 = tpu.memref_slice %dma_wait3A_54[%multiple_of3A, %dma_wait3A_55] : memref<10000x128xf32, #tpu.memory_space<hbm>> -> memref<624x128xf32, #tpu.memory_space<hbm>>
        %dma_wait3A_57 = arith.constant 0 : i32
        %dma_wait3A_58 = tpu.memref_slice %arg13[%multiple_of3A, %dma_wait3A_57] : memref<10128x128xf32, #tpu.memory_space<vmem_shared>> -> memref<624x128xf32, #tpu.memory_space<vmem_shared>>
        tpu.wait_dma2 semaphore(%run_scoped3A : memref<!tpu.dma_semaphore, #tpu.memory_space<semaphore_mem>>) src(%dma_wait3A_58 : memref<624x128xf32, #tpu.memory_space<vmem_shared>>) dst(%dma_wait3A_56 : memref<624x128xf32, #tpu.memory_space<hbm>>)
        tpu.yield
      }) : () -> ()
    } else {
    }
    %eq3A_38 = arith.constant 15 : i32
    %eq3A_39 = arith.cmpi eq, %arg1, %eq3A_38 : i32
    %convert_element_type3A_40 = arith.extui %eq3A_39 : i1 to i32
    %cond3A_41 = arith.constant 0 : i32
    %cond3A_42 = arith.cmpi ne, %convert_element_type3A_40, %cond3A_41 : i32
    scf.if %cond3A_42 {
      "tpu.region"() ({
        %run_scoped3A = tpu.sem_alloc : memref<!tpu.dma_semaphore, #tpu.memory_space<semaphore_mem>>
        %dma_start3A_43 = arith.constant 0 : i32
        %dma_start3A_44 = arith.constant 0 : i32
        %dma_start3A_45 = tpu.memref_slice %arg5[%arg0, %dma_start3A_43, %dma_start3A_44] : memref<2x10000x128xf32, #tpu.memory_space<hbm>> -> memref<1x10000x128xf32, #tpu.memory_space<hbm>>
        %dma_start3A_46 = tpu.memref_squeeze %dma_start3A_45 : memref<1x10000x128xf32, #tpu.memory_space<hbm>> -> memref<10000x128xf32, #tpu.memory_space<hbm>>
        %dma_start3A_47 = arith.constant 9360 : i32
        %dma_start3A_48 = arith.constant 0 : i32
        %dma_start3A_49 = tpu.memref_slice %dma_start3A_46[%dma_start3A_47, %dma_start3A_48] : memref<10000x128xf32, #tpu.memory_space<hbm>> -> memref<640x128xf32, #tpu.memory_space<hbm>>
        %dma_start3A_50 = arith.constant 9360 : i32
        %dma_start3A_51 = arith.constant 0 : i32
        %dma_start3A_52 = tpu.memref_slice %arg13[%dma_start3A_50, %dma_start3A_51] : memref<10128x128xf32, #tpu.memory_space<vmem_shared>> -> memref<640x128xf32, #tpu.memory_space<vmem_shared>>
        tpu.enqueue_dma source(%dma_start3A_52 : memref<640x128xf32, #tpu.memory_space<vmem_shared>>) target(%dma_start3A_49 : memref<640x128xf32, #tpu.memory_space<hbm>>) target_semaphore(%run_scoped3A : memref<!tpu.dma_semaphore, #tpu.memory_space<semaphore_mem>>)
        %dma_wait3A_53 = arith.constant 0 : i32
        %dma_wait3A_54 = arith.constant 0 : i32
        %dma_wait3A_55 = tpu.memref_slice %arg5[%arg0, %dma_wait3A_53, %dma_wait3A_54] : memref<2x10000x128xf32, #tpu.memory_space<hbm>> -> memref<1x10000x128xf32, #tpu.memory_space<hbm>>
        %dma_wait3A_56 = tpu.memref_squeeze %dma_wait3A_55 : memref<1x10000x128xf32, #tpu.memory_space<hbm>> -> memref<10000x128xf32, #tpu.memory_space<hbm>>
        %dma_wait3A_57 = arith.constant 9360 : i32
        %dma_wait3A_58 = arith.constant 0 : i32
        %dma_wait3A_59 = tpu.memref_slice %dma_wait3A_56[%dma_wait3A_57, %dma_wait3A_58] : memref<10000x128xf32, #tpu.memory_space<hbm>> -> memref<640x128xf32, #tpu.memory_space<hbm>>
        %dma_wait3A_60 = arith.constant 9360 : i32
        %dma_wait3A_61 = arith.constant 0 : i32
        %dma_wait3A_62 = tpu.memref_slice %arg13[%dma_wait3A_60, %dma_wait3A_61] : memref<10128x128xf32, #tpu.memory_space<vmem_shared>> -> memref<640x128xf32, #tpu.memory_space<vmem_shared>>
        tpu.wait_dma2 semaphore(%run_scoped3A : memref<!tpu.dma_semaphore, #tpu.memory_space<semaphore_mem>>) src(%dma_wait3A_62 : memref<640x128xf32, #tpu.memory_space<vmem_shared>>) dst(%dma_wait3A_59 : memref<640x128xf32, #tpu.memory_space<hbm>>)
        tpu.yield
      }) : () -> ()
    } else {
    }
    return
  }
}

#map = affine_map<(d0, d1) -> (0, 0, 0)>
#map1 = affine_map<(d0, d1) -> (0, 0)>
module attributes {stable_mosaic.version = 14 : i64} {
  func.func @deg_kernel(%arg0: i32, %arg1: i32, %arg2: memref<32x79x128xi32, #tpu.memory_space<hbm>>, %arg3: memref<10000x128xf32, #tpu.memory_space<hbm>>, %arg4: memref<128x128xf32, #tpu.memory_space<hbm>>, %arg5: memref<2x10000x128xf32, #tpu.memory_space<hbm>>, %arg6: memref<79x128xi32, #tpu.memory_space<vmem>>, %arg7: memref<128x128xf32, #tpu.memory_space<vmem>>, %arg8: memref<10128x128xf32, #tpu.memory_space<vmem_shared>>, %arg9: memref<!tpu.dma_semaphore, #tpu.memory_space<semaphore_mem>>) attributes {dimension_semantics = [#tpu.dimension_semantics<core_parallel>, #tpu.dimension_semantics<subcore_parallel>], iteration_bounds = array<i64: 2, 16>, scalar_prefetch = 0 : i64, scratch_operands = 4 : i64, tpu.core_type = #tpu.core_type<sc_vector_subcore>, window_params = [{transform_indices = #map}, {transform_indices = #map1}, {transform_indices = #map1}, {transform_indices = #map}]} {
    %mul3A = arith.constant 16 : i32
    %mul3A_0 = arith.muli %arg0, %mul3A : i32
    %add3A = arith.addi %mul3A_0, %arg1 : i32
    %mul3A_1 = arith.constant 624 : i32
    %mul3A_2 = arith.muli %arg1, %mul3A_1 : i32
    %multiple_of3A = tpu.assume_multiple %mul3A_2, 8 : i32
    %lt3A = arith.constant 15 : i32
    %lt3A_3 = arith.cmpi slt, %arg1, %lt3A : i32
    %convert_element_type3A = arith.extui %lt3A_3 : i1 to i32
    %cond3A = arith.constant 0 : i32
    %cond3A_4 = arith.cmpi ne, %convert_element_type3A, %cond3A : i32
    scf.if %cond3A_4 {
      "tpu.region"() ({
        %run_scoped3A = tpu.sem_alloc : memref<!tpu.dma_semaphore, #tpu.memory_space<semaphore_mem>>
        %dma_start3A = arith.constant 0 : i32
        %dma_start3A_27 = tpu.memref_slice %arg8[%multiple_of3A, %dma_start3A] : memref<10128x128xf32, #tpu.memory_space<vmem_shared>> -> memref<624x128xf32, #tpu.memory_space<vmem_shared>>
        %dma_start3A_28 = arith.constant 0 : i32
        %dma_start3A_29 = tpu.memref_slice %arg3[%multiple_of3A, %dma_start3A_28] : memref<10000x128xf32, #tpu.memory_space<hbm>> -> memref<624x128xf32, #tpu.memory_space<hbm>>
        tpu.enqueue_dma source(%dma_start3A_29 : memref<624x128xf32, #tpu.memory_space<hbm>>) target(%dma_start3A_27 : memref<624x128xf32, #tpu.memory_space<vmem_shared>>) target_semaphore(%run_scoped3A : memref<!tpu.dma_semaphore, #tpu.memory_space<semaphore_mem>>)
        %dma_wait3A = arith.constant 0 : i32
        %dma_wait3A_30 = tpu.memref_slice %arg8[%multiple_of3A, %dma_wait3A] : memref<10128x128xf32, #tpu.memory_space<vmem_shared>> -> memref<624x128xf32, #tpu.memory_space<vmem_shared>>
        %dma_wait3A_31 = arith.constant 0 : i32
        %dma_wait3A_32 = tpu.memref_slice %arg3[%multiple_of3A, %dma_wait3A_31] : memref<10000x128xf32, #tpu.memory_space<hbm>> -> memref<624x128xf32, #tpu.memory_space<hbm>>
        tpu.wait_dma2 semaphore(%run_scoped3A : memref<!tpu.dma_semaphore, #tpu.memory_space<semaphore_mem>>) src(%dma_wait3A_32 : memref<624x128xf32, #tpu.memory_space<hbm>>) dst(%dma_wait3A_30 : memref<624x128xf32, #tpu.memory_space<vmem_shared>>)
        tpu.yield
      }) : () -> ()
    } else {
    }
    %eq3A = arith.constant 15 : i32
    %eq3A_5 = arith.cmpi eq, %arg1, %eq3A : i32
    %convert_element_type3A_6 = arith.extui %eq3A_5 : i1 to i32
    %cond3A_7 = arith.constant 0 : i32
    %cond3A_8 = arith.cmpi ne, %convert_element_type3A_6, %cond3A_7 : i32
    scf.if %cond3A_8 {
      "tpu.region"() ({
        %run_scoped3A = tpu.sem_alloc : memref<!tpu.dma_semaphore, #tpu.memory_space<semaphore_mem>>
        %dma_start3A = arith.constant 9360 : i32
        %dma_start3A_27 = arith.constant 0 : i32
        %dma_start3A_28 = tpu.memref_slice %arg8[%dma_start3A, %dma_start3A_27] : memref<10128x128xf32, #tpu.memory_space<vmem_shared>> -> memref<640x128xf32, #tpu.memory_space<vmem_shared>>
        %dma_start3A_29 = arith.constant 9360 : i32
        %dma_start3A_30 = arith.constant 0 : i32
        %dma_start3A_31 = tpu.memref_slice %arg3[%dma_start3A_29, %dma_start3A_30] : memref<10000x128xf32, #tpu.memory_space<hbm>> -> memref<640x128xf32, #tpu.memory_space<hbm>>
        tpu.enqueue_dma source(%dma_start3A_31 : memref<640x128xf32, #tpu.memory_space<hbm>>) target(%dma_start3A_28 : memref<640x128xf32, #tpu.memory_space<vmem_shared>>) target_semaphore(%run_scoped3A : memref<!tpu.dma_semaphore, #tpu.memory_space<semaphore_mem>>)
        %dma_wait3A = arith.constant 9360 : i32
        %dma_wait3A_32 = arith.constant 0 : i32
        %dma_wait3A_33 = tpu.memref_slice %arg8[%dma_wait3A, %dma_wait3A_32] : memref<10128x128xf32, #tpu.memory_space<vmem_shared>> -> memref<640x128xf32, #tpu.memory_space<vmem_shared>>
        %dma_wait3A_34 = arith.constant 9360 : i32
        %dma_wait3A_35 = arith.constant 0 : i32
        %dma_wait3A_36 = tpu.memref_slice %arg3[%dma_wait3A_34, %dma_wait3A_35] : memref<10000x128xf32, #tpu.memory_space<hbm>> -> memref<640x128xf32, #tpu.memory_space<hbm>>
        tpu.wait_dma2 semaphore(%run_scoped3A : memref<!tpu.dma_semaphore, #tpu.memory_space<semaphore_mem>>) src(%dma_wait3A_36 : memref<640x128xf32, #tpu.memory_space<hbm>>) dst(%dma_wait3A_33 : memref<640x128xf32, #tpu.memory_space<vmem_shared>>)
        tpu.yield
      }) : () -> ()
    } else {
    }
    "tpu.region"() ({
      %run_scoped3A = tpu.sem_alloc : memref<!tpu.dma_semaphore, #tpu.memory_space<semaphore_mem>>
      tpu.enqueue_dma source(%arg4 : memref<128x128xf32, #tpu.memory_space<hbm>>) target(%arg7 : memref<128x128xf32, #tpu.memory_space<vmem>>) target_semaphore(%run_scoped3A : memref<!tpu.dma_semaphore, #tpu.memory_space<semaphore_mem>>)
      tpu.wait_dma2 semaphore(%run_scoped3A : memref<!tpu.dma_semaphore, #tpu.memory_space<semaphore_mem>>) src(%arg4 : memref<128x128xf32, #tpu.memory_space<hbm>>) dst(%arg7 : memref<128x128xf32, #tpu.memory_space<vmem>>)
      tpu.yield
    }) : () -> ()
    "tpu.region"() ({
      %run_scoped3A = tpu.sem_alloc : memref<!tpu.dma_semaphore, #tpu.memory_space<semaphore_mem>>
      %dma_start3A = arith.constant 0 : i32
      %dma_start3A_27 = arith.constant 0 : i32
      %dma_start3A_28 = tpu.memref_slice %arg2[%add3A, %dma_start3A, %dma_start3A_27] : memref<32x79x128xi32, #tpu.memory_space<hbm>> -> memref<1x79x128xi32, #tpu.memory_space<hbm>>
      %dma_start3A_29 = tpu.memref_squeeze %dma_start3A_28 : memref<1x79x128xi32, #tpu.memory_space<hbm>> -> memref<79x128xi32, #tpu.memory_space<hbm>>
      %dma_start3A_30 = arith.constant 0 : i32
      %dma_start3A_31 = arith.constant 0 : i32
      %dma_start3A_32 = tpu.memref_slice %arg2[%add3A, %dma_start3A_30, %dma_start3A_31] : memref<32x79x128xi32, #tpu.memory_space<hbm>> -> memref<1x79x128xi32, #tpu.memory_space<hbm>>
      %dma_start3A_33 = tpu.memref_squeeze %dma_start3A_32 : memref<1x79x128xi32, #tpu.memory_space<hbm>> -> memref<79x128xi32, #tpu.memory_space<hbm>>
      tpu.enqueue_dma source(%dma_start3A_33 : memref<79x128xi32, #tpu.memory_space<hbm>>) target(%arg6 : memref<79x128xi32, #tpu.memory_space<vmem>>) target_semaphore(%run_scoped3A : memref<!tpu.dma_semaphore, #tpu.memory_space<semaphore_mem>>)
      %dma_wait3A = arith.constant 0 : i32
      %dma_wait3A_34 = arith.constant 0 : i32
      %dma_wait3A_35 = tpu.memref_slice %arg2[%add3A, %dma_wait3A, %dma_wait3A_34] : memref<32x79x128xi32, #tpu.memory_space<hbm>> -> memref<1x79x128xi32, #tpu.memory_space<hbm>>
      %dma_wait3A_36 = tpu.memref_squeeze %dma_wait3A_35 : memref<1x79x128xi32, #tpu.memory_space<hbm>> -> memref<79x128xi32, #tpu.memory_space<hbm>>
      %dma_wait3A_37 = arith.constant 0 : i32
      %dma_wait3A_38 = arith.constant 0 : i32
      %dma_wait3A_39 = tpu.memref_slice %arg2[%add3A, %dma_wait3A_37, %dma_wait3A_38] : memref<32x79x128xi32, #tpu.memory_space<hbm>> -> memref<1x79x128xi32, #tpu.memory_space<hbm>>
      %dma_wait3A_40 = tpu.memref_squeeze %dma_wait3A_39 : memref<1x79x128xi32, #tpu.memory_space<hbm>> -> memref<79x128xi32, #tpu.memory_space<hbm>>
      tpu.wait_dma2 semaphore(%run_scoped3A : memref<!tpu.dma_semaphore, #tpu.memory_space<semaphore_mem>>) src(%dma_wait3A_40 : memref<79x128xi32, #tpu.memory_space<hbm>>) dst(%arg6 : memref<79x128xi32, #tpu.memory_space<vmem>>)
      tpu.yield
    }) : () -> ()
    %barrier3A = arith.constant 0 : index
    tpu.barrier barrier_id(%barrier3A)
    %scan3A = arith.constant 0 : i32
    %scan3A_9 = arith.constant 79 : i32
    %scan3A_10 = arith.addi %scan3A, %scan3A_9 : i32
    %scan3A_11 = arith.constant 1 : i32
    scf.for %scan3A_27 = %scan3A to %scan3A_10 step %scan3A_11  : i32 {
      %mul3A_28 = arith.constant 1 : i32
      %mul3A_29 = arith.muli %scan3A_27, %mul3A_28 : i32
      %add3A_30 = arith.constant 0 : i32
      %add3A_31 = arith.addi %add3A_30, %mul3A_29 : i32
      "tpu.region"() ({
        %run_scoped3A = tpu.sem_alloc : memref<!tpu.dma_semaphore, #tpu.memory_space<semaphore_mem>>
        %dma_start3A = arith.constant 0 : i32
        %dma_start3A_32 = tpu.memref_slice %arg6[%add3A_31, %dma_start3A] : memref<79x128xi32, #tpu.memory_space<vmem>> -> memref<1x128xi32, #tpu.memory_space<vmem>>
        %dma_start3A_33 = tpu.memref_squeeze %dma_start3A_32 : memref<1x128xi32, #tpu.memory_space<vmem>> -> memref<128xi32, #tpu.memory_space<vmem>>
        %dma_start3A_34 = arith.constant 0 : i32
        %dma_start3A_35 = arith.constant 0 : i32
        %dma_start3A_36 = tpu.memref_slice %arg8[%dma_start3A_34, %dma_start3A_35] : memref<10128x128xf32, #tpu.memory_space<vmem_shared>> -> memref<10128x128xf32, #tpu.memory_space<vmem_shared>>
        tpu.enqueue_indirect_dma source(%arg7 : memref<128x128xf32, #tpu.memory_space<vmem>>) target(%dma_start3A_36 : memref<10128x128xf32, #tpu.memory_space<vmem_shared>>) offsets(%dma_start3A_33 : memref<128xi32, #tpu.memory_space<vmem>>) semaphore(%run_scoped3A : memref<!tpu.dma_semaphore, #tpu.memory_space<semaphore_mem>>) {add = true}
        %dma_wait3A = arith.constant 0 : i32
        %dma_wait3A_37 = tpu.memref_slice %arg6[%add3A_31, %dma_wait3A] : memref<79x128xi32, #tpu.memory_space<vmem>> -> memref<1x128xi32, #tpu.memory_space<vmem>>
        %dma_wait3A_38 = tpu.memref_squeeze %dma_wait3A_37 : memref<1x128xi32, #tpu.memory_space<vmem>> -> memref<128xi32, #tpu.memory_space<vmem>>
        %dma_wait3A_39 = arith.constant 0 : i32
        %dma_wait3A_40 = arith.constant 0 : i32
        %dma_wait3A_41 = tpu.memref_slice %arg8[%dma_wait3A_39, %dma_wait3A_40] : memref<10128x128xf32, #tpu.memory_space<vmem_shared>> -> memref<10128x128xf32, #tpu.memory_space<vmem_shared>>
        tpu.wait_indirect_dma semaphore(%run_scoped3A : memref<!tpu.dma_semaphore, #tpu.memory_space<semaphore_mem>>) src(%arg7 : memref<128x128xf32, #tpu.memory_space<vmem>>) dst(%dma_wait3A_41 : memref<10128x128xf32, #tpu.memory_space<vmem_shared>>)
        tpu.yield
      }) : () -> ()
    }
    %scan3A_12 = arith.constant 79 : i32
    %barrier3A_13 = arith.constant 0 : index
    tpu.barrier barrier_id(%barrier3A_13)
    %mul3A_14 = arith.constant 624 : i32
    %mul3A_15 = arith.muli %arg1, %mul3A_14 : i32
    %multiple_of3A_16 = tpu.assume_multiple %mul3A_15, 8 : i32
    %lt3A_17 = arith.constant 15 : i32
    %lt3A_18 = arith.cmpi slt, %arg1, %lt3A_17 : i32
    %convert_element_type3A_19 = arith.extui %lt3A_18 : i1 to i32
    %cond3A_20 = arith.constant 0 : i32
    %cond3A_21 = arith.cmpi ne, %convert_element_type3A_19, %cond3A_20 : i32
    scf.if %cond3A_21 {
      "tpu.region"() ({
        %run_scoped3A = tpu.sem_alloc : memref<!tpu.dma_semaphore, #tpu.memory_space<semaphore_mem>>
        %dma_start3A = arith.constant 0 : i32
        %dma_start3A_27 = arith.constant 0 : i32
        %dma_start3A_28 = tpu.memref_slice %arg5[%arg0, %dma_start3A, %dma_start3A_27] : memref<2x10000x128xf32, #tpu.memory_space<hbm>> -> memref<1x10000x128xf32, #tpu.memory_space<hbm>>
        %dma_start3A_29 = tpu.memref_squeeze %dma_start3A_28 : memref<1x10000x128xf32, #tpu.memory_space<hbm>> -> memref<10000x128xf32, #tpu.memory_space<hbm>>
        %dma_start3A_30 = arith.constant 0 : i32
        %dma_start3A_31 = tpu.memref_slice %dma_start3A_29[%multiple_of3A_16, %dma_start3A_30] : memref<10000x128xf32, #tpu.memory_space<hbm>> -> memref<624x128xf32, #tpu.memory_space<hbm>>
        %dma_start3A_32 = arith.constant 0 : i32
        %dma_start3A_33 = tpu.memref_slice %arg8[%multiple_of3A_16, %dma_start3A_32] : memref<10128x128xf32, #tpu.memory_space<vmem_shared>> -> memref<624x128xf32, #tpu.memory_space<vmem_shared>>
        tpu.enqueue_dma source(%dma_start3A_33 : memref<624x128xf32, #tpu.memory_space<vmem_shared>>) target(%dma_start3A_31 : memref<624x128xf32, #tpu.memory_space<hbm>>) target_semaphore(%run_scoped3A : memref<!tpu.dma_semaphore, #tpu.memory_space<semaphore_mem>>)
        %dma_wait3A = arith.constant 0 : i32
        %dma_wait3A_34 = arith.constant 0 : i32
        %dma_wait3A_35 = tpu.memref_slice %arg5[%arg0, %dma_wait3A, %dma_wait3A_34] : memref<2x10000x128xf32, #tpu.memory_space<hbm>> -> memref<1x10000x128xf32, #tpu.memory_space<hbm>>
        %dma_wait3A_36 = tpu.memref_squeeze %dma_wait3A_35 : memref<1x10000x128xf32, #tpu.memory_space<hbm>> -> memref<10000x128xf32, #tpu.memory_space<hbm>>
        %dma_wait3A_37 = arith.constant 0 : i32
        %dma_wait3A_38 = tpu.memref_slice %dma_wait3A_36[%multiple_of3A_16, %dma_wait3A_37] : memref<10000x128xf32, #tpu.memory_space<hbm>> -> memref<624x128xf32, #tpu.memory_space<hbm>>
        %dma_wait3A_39 = arith.constant 0 : i32
        %dma_wait3A_40 = tpu.memref_slice %arg8[%multiple_of3A_16, %dma_wait3A_39] : memref<10128x128xf32, #tpu.memory_space<vmem_shared>> -> memref<624x128xf32, #tpu.memory_space<vmem_shared>>
        tpu.wait_dma2 semaphore(%run_scoped3A : memref<!tpu.dma_semaphore, #tpu.memory_space<semaphore_mem>>) src(%dma_wait3A_40 : memref<624x128xf32, #tpu.memory_space<vmem_shared>>) dst(%dma_wait3A_38 : memref<624x128xf32, #tpu.memory_space<hbm>>)
        tpu.yield
      }) : () -> ()
    } else {
    }
    %eq3A_22 = arith.constant 15 : i32
    %eq3A_23 = arith.cmpi eq, %arg1, %eq3A_22 : i32
    %convert_element_type3A_24 = arith.extui %eq3A_23 : i1 to i32
    %cond3A_25 = arith.constant 0 : i32
    %cond3A_26 = arith.cmpi ne, %convert_element_type3A_24, %cond3A_25 : i32
    scf.if %cond3A_26 {
      "tpu.region"() ({
        %run_scoped3A = tpu.sem_alloc : memref<!tpu.dma_semaphore, #tpu.memory_space<semaphore_mem>>
        %dma_start3A = arith.constant 0 : i32
        %dma_start3A_27 = arith.constant 0 : i32
        %dma_start3A_28 = tpu.memref_slice %arg5[%arg0, %dma_start3A, %dma_start3A_27] : memref<2x10000x128xf32, #tpu.memory_space<hbm>> -> memref<1x10000x128xf32, #tpu.memory_space<hbm>>
        %dma_start3A_29 = tpu.memref_squeeze %dma_start3A_28 : memref<1x10000x128xf32, #tpu.memory_space<hbm>> -> memref<10000x128xf32, #tpu.memory_space<hbm>>
        %dma_start3A_30 = arith.constant 9360 : i32
        %dma_start3A_31 = arith.constant 0 : i32
        %dma_start3A_32 = tpu.memref_slice %dma_start3A_29[%dma_start3A_30, %dma_start3A_31] : memref<10000x128xf32, #tpu.memory_space<hbm>> -> memref<640x128xf32, #tpu.memory_space<hbm>>
        %dma_start3A_33 = arith.constant 9360 : i32
        %dma_start3A_34 = arith.constant 0 : i32
        %dma_start3A_35 = tpu.memref_slice %arg8[%dma_start3A_33, %dma_start3A_34] : memref<10128x128xf32, #tpu.memory_space<vmem_shared>> -> memref<640x128xf32, #tpu.memory_space<vmem_shared>>
        tpu.enqueue_dma source(%dma_start3A_35 : memref<640x128xf32, #tpu.memory_space<vmem_shared>>) target(%dma_start3A_32 : memref<640x128xf32, #tpu.memory_space<hbm>>) target_semaphore(%run_scoped3A : memref<!tpu.dma_semaphore, #tpu.memory_space<semaphore_mem>>)
        %dma_wait3A = arith.constant 0 : i32
        %dma_wait3A_36 = arith.constant 0 : i32
        %dma_wait3A_37 = tpu.memref_slice %arg5[%arg0, %dma_wait3A, %dma_wait3A_36] : memref<2x10000x128xf32, #tpu.memory_space<hbm>> -> memref<1x10000x128xf32, #tpu.memory_space<hbm>>
        %dma_wait3A_38 = tpu.memref_squeeze %dma_wait3A_37 : memref<1x10000x128xf32, #tpu.memory_space<hbm>> -> memref<10000x128xf32, #tpu.memory_space<hbm>>
        %dma_wait3A_39 = arith.constant 9360 : i32
        %dma_wait3A_40 = arith.constant 0 : i32
        %dma_wait3A_41 = tpu.memref_slice %dma_wait3A_38[%dma_wait3A_39, %dma_wait3A_40] : memref<10000x128xf32, #tpu.memory_space<hbm>> -> memref<640x128xf32, #tpu.memory_space<hbm>>
        %dma_wait3A_42 = arith.constant 9360 : i32
        %dma_wait3A_43 = arith.constant 0 : i32
        %dma_wait3A_44 = tpu.memref_slice %arg8[%dma_wait3A_42, %dma_wait3A_43] : memref<10128x128xf32, #tpu.memory_space<vmem_shared>> -> memref<640x128xf32, #tpu.memory_space<vmem_shared>>
        tpu.wait_dma2 semaphore(%run_scoped3A : memref<!tpu.dma_semaphore, #tpu.memory_space<semaphore_mem>>) src(%dma_wait3A_44 : memref<640x128xf32, #tpu.memory_space<vmem_shared>>) dst(%dma_wait3A_41 : memref<640x128xf32, #tpu.memory_space<hbm>>)
        tpu.yield
      }) : () -> ()
    } else {
    }
    return
  }
}

#map = affine_map<(d0, d1) -> (0, 0)>
#map1 = affine_map<(d0, d1) -> (0, 0, 0)>
module attributes {stable_mosaic.version = 14 : i64} {
  func.func @agg_kernel(%arg0: i32, %arg1: i32, %arg2: memref<10000x128xf32, #tpu.memory_space<hbm>>, %arg3: memref<10000x128xf32, #tpu.memory_space<hbm>>, %arg4: memref<32x79x128xi32, #tpu.memory_space<hbm>>, %arg5: memref<2x10000x128xf32, #tpu.memory_space<hbm>>, %arg6: memref<79x128xi32, #tpu.memory_space<vmem>>, %arg7: memref<128xi32, #tpu.memory_space<vmem>>, %arg8: memref<128xi32, #tpu.memory_space<vmem>>, %arg9: memref<128xi32, #tpu.memory_space<vmem>>, %arg10: memref<128xi32, #tpu.memory_space<vmem>>, %arg11: memref<128x128xf32, #tpu.memory_space<vmem>>, %arg12: memref<128x128xf32, #tpu.memory_space<vmem>>, %arg13: memref<10128x128xf32, #tpu.memory_space<vmem_shared>>, %arg14: memref<!tpu.dma_semaphore, #tpu.memory_space<semaphore_mem>>, %arg15: memref<!tpu.dma_semaphore, #tpu.memory_space<semaphore_mem>>, %arg16: memref<!tpu.dma_semaphore, #tpu.memory_space<semaphore_mem>>, %arg17: memref<!tpu.dma_semaphore, #tpu.memory_space<semaphore_mem>>) attributes {dimension_semantics = [#tpu.dimension_semantics<core_parallel>, #tpu.dimension_semantics<subcore_parallel>], iteration_bounds = array<i64: 2, 16>, scalar_prefetch = 0 : i64, scratch_operands = 12 : i64, tpu.core_type = #tpu.core_type<sc_vector_subcore>, window_params = [{transform_indices = #map}, {transform_indices = #map}, {transform_indices = #map1}, {transform_indices = #map1}]} {
    %mul3A = arith.constant 16 : i32
    %mul3A_0 = arith.muli %arg0, %mul3A : i32
    %add3A = arith.addi %mul3A_0, %arg1 : i32
    %eq3A = arith.constant 0 : i32
    %eq3A_1 = arith.cmpi eq, %arg0, %eq3A : i32
    %convert_element_type3A = arith.extui %eq3A_1 : i1 to i32
    %cond3A = arith.constant 0 : i32
    %cond3A_2 = arith.cmpi ne, %convert_element_type3A, %cond3A : i32
    scf.if %cond3A_2 {
      %mul3A_43 = arith.constant 624 : i32
      %mul3A_44 = arith.muli %arg1, %mul3A_43 : i32
      %multiple_of3A_45 = tpu.assume_multiple %mul3A_44, 8 : i32
      %lt3A_46 = arith.constant 15 : i32
      %lt3A_47 = arith.cmpi slt, %arg1, %lt3A_46 : i32
      %convert_element_type3A_48 = arith.extui %lt3A_47 : i1 to i32
      %cond3A_49 = arith.constant 0 : i32
      %cond3A_50 = arith.cmpi ne, %convert_element_type3A_48, %cond3A_49 : i32
      scf.if %cond3A_50 {
        "tpu.region"() ({
          %run_scoped3A = tpu.sem_alloc : memref<!tpu.dma_semaphore, #tpu.memory_space<semaphore_mem>>
          %dma_start3A_56 = arith.constant 0 : i32
          %dma_start3A_57 = tpu.memref_slice %arg13[%multiple_of3A_45, %dma_start3A_56] : memref<10128x128xf32, #tpu.memory_space<vmem_shared>> -> memref<624x128xf32, #tpu.memory_space<vmem_shared>>
          %dma_start3A_58 = arith.constant 0 : i32
          %dma_start3A_59 = tpu.memref_slice %arg2[%multiple_of3A_45, %dma_start3A_58] : memref<10000x128xf32, #tpu.memory_space<hbm>> -> memref<624x128xf32, #tpu.memory_space<hbm>>
          tpu.enqueue_dma source(%dma_start3A_59 : memref<624x128xf32, #tpu.memory_space<hbm>>) target(%dma_start3A_57 : memref<624x128xf32, #tpu.memory_space<vmem_shared>>) target_semaphore(%run_scoped3A : memref<!tpu.dma_semaphore, #tpu.memory_space<semaphore_mem>>)
          %dma_wait3A_60 = arith.constant 0 : i32
          %dma_wait3A_61 = tpu.memref_slice %arg13[%multiple_of3A_45, %dma_wait3A_60] : memref<10128x128xf32, #tpu.memory_space<vmem_shared>> -> memref<624x128xf32, #tpu.memory_space<vmem_shared>>
          %dma_wait3A_62 = arith.constant 0 : i32
          %dma_wait3A_63 = tpu.memref_slice %arg2[%multiple_of3A_45, %dma_wait3A_62] : memref<10000x128xf32, #tpu.memory_space<hbm>> -> memref<624x128xf32, #tpu.memory_space<hbm>>
          tpu.wait_dma2 semaphore(%run_scoped3A : memref<!tpu.dma_semaphore, #tpu.memory_space<semaphore_mem>>) src(%dma_wait3A_63 : memref<624x128xf32, #tpu.memory_space<hbm>>) dst(%dma_wait3A_61 : memref<624x128xf32, #tpu.memory_space<vmem_shared>>)
          tpu.yield
        }) : () -> ()
      } else {
      }
      %eq3A_51 = arith.constant 15 : i32
      %eq3A_52 = arith.cmpi eq, %arg1, %eq3A_51 : i32
      %convert_element_type3A_53 = arith.extui %eq3A_52 : i1 to i32
      %cond3A_54 = arith.constant 0 : i32
      %cond3A_55 = arith.cmpi ne, %convert_element_type3A_53, %cond3A_54 : i32
      scf.if %cond3A_55 {
        "tpu.region"() ({
          %run_scoped3A = tpu.sem_alloc : memref<!tpu.dma_semaphore, #tpu.memory_space<semaphore_mem>>
          %dma_start3A_56 = arith.constant 9360 : i32
          %dma_start3A_57 = arith.constant 0 : i32
          %dma_start3A_58 = tpu.memref_slice %arg13[%dma_start3A_56, %dma_start3A_57] : memref<10128x128xf32, #tpu.memory_space<vmem_shared>> -> memref<640x128xf32, #tpu.memory_space<vmem_shared>>
          %dma_start3A_59 = arith.constant 9360 : i32
          %dma_start3A_60 = arith.constant 0 : i32
          %dma_start3A_61 = tpu.memref_slice %arg2[%dma_start3A_59, %dma_start3A_60] : memref<10000x128xf32, #tpu.memory_space<hbm>> -> memref<640x128xf32, #tpu.memory_space<hbm>>
          tpu.enqueue_dma source(%dma_start3A_61 : memref<640x128xf32, #tpu.memory_space<hbm>>) target(%dma_start3A_58 : memref<640x128xf32, #tpu.memory_space<vmem_shared>>) target_semaphore(%run_scoped3A : memref<!tpu.dma_semaphore, #tpu.memory_space<semaphore_mem>>)
          %dma_wait3A_62 = arith.constant 9360 : i32
          %dma_wait3A_63 = arith.constant 0 : i32
          %dma_wait3A_64 = tpu.memref_slice %arg13[%dma_wait3A_62, %dma_wait3A_63] : memref<10128x128xf32, #tpu.memory_space<vmem_shared>> -> memref<640x128xf32, #tpu.memory_space<vmem_shared>>
          %dma_wait3A_65 = arith.constant 9360 : i32
          %dma_wait3A_66 = arith.constant 0 : i32
          %dma_wait3A_67 = tpu.memref_slice %arg2[%dma_wait3A_65, %dma_wait3A_66] : memref<10000x128xf32, #tpu.memory_space<hbm>> -> memref<640x128xf32, #tpu.memory_space<hbm>>
          tpu.wait_dma2 semaphore(%run_scoped3A : memref<!tpu.dma_semaphore, #tpu.memory_space<semaphore_mem>>) src(%dma_wait3A_67 : memref<640x128xf32, #tpu.memory_space<hbm>>) dst(%dma_wait3A_64 : memref<640x128xf32, #tpu.memory_space<vmem_shared>>)
          tpu.yield
        }) : () -> ()
      } else {
      }
    } else {
    }
    %ne3A = arith.constant 0 : i32
    %ne3A_3 = arith.cmpi ne, %arg0, %ne3A : i32
    %convert_element_type3A_4 = arith.extui %ne3A_3 : i1 to i32
    %cond3A_5 = arith.constant 0 : i32
    %cond3A_6 = arith.cmpi ne, %convert_element_type3A_4, %cond3A_5 : i32
    scf.if %cond3A_6 {
      %mul3A_43 = arith.constant 624 : i32
      %mul3A_44 = arith.muli %arg1, %mul3A_43 : i32
      %multiple_of3A_45 = tpu.assume_multiple %mul3A_44, 8 : i32
      %lt3A_46 = arith.constant 15 : i32
      %lt3A_47 = arith.cmpi slt, %arg1, %lt3A_46 : i32
      %convert_element_type3A_48 = arith.extui %lt3A_47 : i1 to i32
      %cond3A_49 = arith.constant 0 : i32
      %cond3A_50 = arith.cmpi ne, %convert_element_type3A_48, %cond3A_49 : i32
      scf.if %cond3A_50 {
        "tpu.region"() ({
          %run_scoped3A = tpu.sem_alloc : memref<!tpu.dma_semaphore, #tpu.memory_space<semaphore_mem>>
          %dma_start3A_56 = arith.constant 0 : i32
          %dma_start3A_57 = tpu.memref_slice %arg13[%multiple_of3A_45, %dma_start3A_56] : memref<10128x128xf32, #tpu.memory_space<vmem_shared>> -> memref<624x128xf32, #tpu.memory_space<vmem_shared>>
          %dma_start3A_58 = arith.constant 0 : i32
          %dma_start3A_59 = tpu.memref_slice %arg3[%multiple_of3A_45, %dma_start3A_58] : memref<10000x128xf32, #tpu.memory_space<hbm>> -> memref<624x128xf32, #tpu.memory_space<hbm>>
          tpu.enqueue_dma source(%dma_start3A_59 : memref<624x128xf32, #tpu.memory_space<hbm>>) target(%dma_start3A_57 : memref<624x128xf32, #tpu.memory_space<vmem_shared>>) target_semaphore(%run_scoped3A : memref<!tpu.dma_semaphore, #tpu.memory_space<semaphore_mem>>)
          %dma_wait3A_60 = arith.constant 0 : i32
          %dma_wait3A_61 = tpu.memref_slice %arg13[%multiple_of3A_45, %dma_wait3A_60] : memref<10128x128xf32, #tpu.memory_space<vmem_shared>> -> memref<624x128xf32, #tpu.memory_space<vmem_shared>>
          %dma_wait3A_62 = arith.constant 0 : i32
          %dma_wait3A_63 = tpu.memref_slice %arg3[%multiple_of3A_45, %dma_wait3A_62] : memref<10000x128xf32, #tpu.memory_space<hbm>> -> memref<624x128xf32, #tpu.memory_space<hbm>>
          tpu.wait_dma2 semaphore(%run_scoped3A : memref<!tpu.dma_semaphore, #tpu.memory_space<semaphore_mem>>) src(%dma_wait3A_63 : memref<624x128xf32, #tpu.memory_space<hbm>>) dst(%dma_wait3A_61 : memref<624x128xf32, #tpu.memory_space<vmem_shared>>)
          tpu.yield
        }) : () -> ()
      } else {
      }
      %eq3A_51 = arith.constant 15 : i32
      %eq3A_52 = arith.cmpi eq, %arg1, %eq3A_51 : i32
      %convert_element_type3A_53 = arith.extui %eq3A_52 : i1 to i32
      %cond3A_54 = arith.constant 0 : i32
      %cond3A_55 = arith.cmpi ne, %convert_element_type3A_53, %cond3A_54 : i32
      scf.if %cond3A_55 {
        "tpu.region"() ({
          %run_scoped3A = tpu.sem_alloc : memref<!tpu.dma_semaphore, #tpu.memory_space<semaphore_mem>>
          %dma_start3A_56 = arith.constant 9360 : i32
          %dma_start3A_57 = arith.constant 0 : i32
          %dma_start3A_58 = tpu.memref_slice %arg13[%dma_start3A_56, %dma_start3A_57] : memref<10128x128xf32, #tpu.memory_space<vmem_shared>> -> memref<640x128xf32, #tpu.memory_space<vmem_shared>>
          %dma_start3A_59 = arith.constant 9360 : i32
          %dma_start3A_60 = arith.constant 0 : i32
          %dma_start3A_61 = tpu.memref_slice %arg3[%dma_start3A_59, %dma_start3A_60] : memref<10000x128xf32, #tpu.memory_space<hbm>> -> memref<640x128xf32, #tpu.memory_space<hbm>>
          tpu.enqueue_dma source(%dma_start3A_61 : memref<640x128xf32, #tpu.memory_space<hbm>>) target(%dma_start3A_58 : memref<640x128xf32, #tpu.memory_space<vmem_shared>>) target_semaphore(%run_scoped3A : memref<!tpu.dma_semaphore, #tpu.memory_space<semaphore_mem>>)
          %dma_wait3A_62 = arith.constant 9360 : i32
          %dma_wait3A_63 = arith.constant 0 : i32
          %dma_wait3A_64 = tpu.memref_slice %arg13[%dma_wait3A_62, %dma_wait3A_63] : memref<10128x128xf32, #tpu.memory_space<vmem_shared>> -> memref<640x128xf32, #tpu.memory_space<vmem_shared>>
          %dma_wait3A_65 = arith.constant 9360 : i32
          %dma_wait3A_66 = arith.constant 0 : i32
          %dma_wait3A_67 = tpu.memref_slice %arg3[%dma_wait3A_65, %dma_wait3A_66] : memref<10000x128xf32, #tpu.memory_space<hbm>> -> memref<640x128xf32, #tpu.memory_space<hbm>>
          tpu.wait_dma2 semaphore(%run_scoped3A : memref<!tpu.dma_semaphore, #tpu.memory_space<semaphore_mem>>) src(%dma_wait3A_67 : memref<640x128xf32, #tpu.memory_space<hbm>>) dst(%dma_wait3A_64 : memref<640x128xf32, #tpu.memory_space<vmem_shared>>)
          tpu.yield
        }) : () -> ()
      } else {
      }
    } else {
    }
    "tpu.region"() ({
      %run_scoped3A = tpu.sem_alloc : memref<!tpu.dma_semaphore, #tpu.memory_space<semaphore_mem>>
      %dma_start3A_43 = arith.constant 0 : i32
      %dma_start3A_44 = arith.constant 0 : i32
      %dma_start3A_45 = tpu.memref_slice %arg4[%add3A, %dma_start3A_43, %dma_start3A_44] : memref<32x79x128xi32, #tpu.memory_space<hbm>> -> memref<1x79x128xi32, #tpu.memory_space<hbm>>
      %dma_start3A_46 = tpu.memref_squeeze %dma_start3A_45 : memref<1x79x128xi32, #tpu.memory_space<hbm>> -> memref<79x128xi32, #tpu.memory_space<hbm>>
      %dma_start3A_47 = arith.constant 0 : i32
      %dma_start3A_48 = arith.constant 0 : i32
      %dma_start3A_49 = tpu.memref_slice %arg4[%add3A, %dma_start3A_47, %dma_start3A_48] : memref<32x79x128xi32, #tpu.memory_space<hbm>> -> memref<1x79x128xi32, #tpu.memory_space<hbm>>
      %dma_start3A_50 = tpu.memref_squeeze %dma_start3A_49 : memref<1x79x128xi32, #tpu.memory_space<hbm>> -> memref<79x128xi32, #tpu.memory_space<hbm>>
      tpu.enqueue_dma source(%dma_start3A_50 : memref<79x128xi32, #tpu.memory_space<hbm>>) target(%arg6 : memref<79x128xi32, #tpu.memory_space<vmem>>) target_semaphore(%run_scoped3A : memref<!tpu.dma_semaphore, #tpu.memory_space<semaphore_mem>>)
      %dma_wait3A_51 = arith.constant 0 : i32
      %dma_wait3A_52 = arith.constant 0 : i32
      %dma_wait3A_53 = tpu.memref_slice %arg4[%add3A, %dma_wait3A_51, %dma_wait3A_52] : memref<32x79x128xi32, #tpu.memory_space<hbm>> -> memref<1x79x128xi32, #tpu.memory_space<hbm>>
      %dma_wait3A_54 = tpu.memref_squeeze %dma_wait3A_53 : memref<1x79x128xi32, #tpu.memory_space<hbm>> -> memref<79x128xi32, #tpu.memory_space<hbm>>
      %dma_wait3A_55 = arith.constant 0 : i32
      %dma_wait3A_56 = arith.constant 0 : i32
      %dma_wait3A_57 = tpu.memref_slice %arg4[%add3A, %dma_wait3A_55, %dma_wait3A_56] : memref<32x79x128xi32, #tpu.memory_space<hbm>> -> memref<1x79x128xi32, #tpu.memory_space<hbm>>
      %dma_wait3A_58 = tpu.memref_squeeze %dma_wait3A_57 : memref<1x79x128xi32, #tpu.memory_space<hbm>> -> memref<79x128xi32, #tpu.memory_space<hbm>>
      tpu.wait_dma2 semaphore(%run_scoped3A : memref<!tpu.dma_semaphore, #tpu.memory_space<semaphore_mem>>) src(%dma_wait3A_58 : memref<79x128xi32, #tpu.memory_space<hbm>>) dst(%arg6 : memref<79x128xi32, #tpu.memory_space<vmem>>)
      tpu.yield
    }) : () -> ()
    %barrier3A = arith.constant 0 : index
    tpu.barrier barrier_id(%barrier3A)
    %scan3A = arith.constant 0 : i32
    %scan3A_7 = arith.constant 8 : i32
    %scan3A_8 = arith.addi %scan3A, %scan3A_7 : i32
    %scan3A_9 = arith.constant 1 : i32
    scf.for %scan3A_43 = %scan3A to %scan3A_8 step %scan3A_9  : i32 {
      %mul3A_44 = arith.constant 16 : i32
      %mul3A_45 = arith.muli %scan3A_43, %mul3A_44 : i32
      %add3A_46 = arith.constant 0 : i32
      %add3A_47 = arith.addi %add3A_46, %mul3A_45 : i32
      %multiple_of3A_48 = tpu.assume_multiple %add3A_47, 8 : i32
      %get3A = arith.constant 0 : i32
      %get3A_49 = arith.index_cast %get3A : i32 to index
      %get3A_50 = arith.index_cast %multiple_of3A_48 : i32 to index
      %get3A_51 = tpu.vector_load %arg6[%get3A_49, %get3A_50] {strides = array<i32>} : memref<79x128xi32, #tpu.memory_space<vmem>>, vector<1x16xi32>,
      %get3A_52 = vector.shape_cast %get3A_51 : vector<1x16xi32> to vector<16xi32>
      %and3A = arith.constant 16383 : i32
      %and3A_53 = vector.broadcast %and3A : i32 to vector<16xi32>
      %and3A_54 = arith.andi %get3A_52, %and3A_53 : vector<16xi32>
      %swap3A = arith.index_cast %multiple_of3A_48 : i32 to index
      %swap3A_55 = tpu.vector_load %arg7[%swap3A] {strides = array<i32>} : memref<128xi32, #tpu.memory_space<vmem>>, vector<16xi32>,
      %swap3A_56 = vector.shape_cast %swap3A_55 : vector<16xi32> to vector<16xi32>
      %swap3A_57 = vector.shape_cast %and3A_54 : vector<16xi32> to vector<16xi32>
      tpu.vector_store %arg7[%swap3A], %swap3A_57 {strides = array<i32>} : memref<128xi32, #tpu.memory_space<vmem>>, vector<16xi32>,
      %shift_right_logical3A = arith.constant 14 : i32
      %shift_right_logical3A_58 = vector.broadcast %shift_right_logical3A : i32 to vector<16xi32>
      %shift_right_logical3A_59 = arith.shrui %get3A_52, %shift_right_logical3A_58 : vector<16xi32>
      %swap3A_60 = arith.index_cast %multiple_of3A_48 : i32 to index
      %swap3A_61 = tpu.vector_load %arg8[%swap3A_60] {strides = array<i32>} : memref<128xi32, #tpu.memory_space<vmem>>, vector<16xi32>,
      %swap3A_62 = vector.shape_cast %swap3A_61 : vector<16xi32> to vector<16xi32>
      %swap3A_63 = vector.shape_cast %shift_right_logical3A_59 : vector<16xi32> to vector<16xi32>
      tpu.vector_store %arg8[%swap3A_60], %swap3A_63 {strides = array<i32>} : memref<128xi32, #tpu.memory_space<vmem>>, vector<16xi32>,
    }
    %scan3A_10 = arith.constant 8 : i32
    %dma_start3A = arith.constant 0 : i32
    %dma_start3A_11 = arith.constant 0 : i32
    %dma_start3A_12 = tpu.memref_slice %arg2[%dma_start3A, %dma_start3A_11] : memref<10000x128xf32, #tpu.memory_space<hbm>> -> memref<10000x128xf32, #tpu.memory_space<hbm>>
    tpu.enqueue_indirect_dma source(%dma_start3A_12 : memref<10000x128xf32, #tpu.memory_space<hbm>>) target(%arg11 : memref<128x128xf32, #tpu.memory_space<vmem>>) offsets(%arg7 : memref<128xi32, #tpu.memory_space<vmem>>) semaphore(%arg14 : memref<!tpu.dma_semaphore, #tpu.memory_space<semaphore_mem>>)
    %scan3A_13 = arith.constant 0 : i32
    %scan3A_14 = arith.constant 8 : i32
    %scan3A_15 = arith.addi %scan3A_13, %scan3A_14 : i32
    %scan3A_16 = arith.constant 1 : i32
    scf.for %scan3A_43 = %scan3A_13 to %scan3A_15 step %scan3A_16  : i32 {
      %mul3A_44 = arith.constant 16 : i32
      %mul3A_45 = arith.muli %scan3A_43, %mul3A_44 : i32
      %add3A_46 = arith.constant 0 : i32
      %add3A_47 = arith.addi %add3A_46, %mul3A_45 : i32
      %multiple_of3A_48 = tpu.assume_multiple %add3A_47, 8 : i32
      %get3A = arith.constant 1 : i32
      %get3A_49 = arith.index_cast %get3A : i32 to index
      %get3A_50 = arith.index_cast %multiple_of3A_48 : i32 to index
      %get3A_51 = tpu.vector_load %arg6[%get3A_49, %get3A_50] {strides = array<i32>} : memref<79x128xi32, #tpu.memory_space<vmem>>, vector<1x16xi32>,
      %get3A_52 = vector.shape_cast %get3A_51 : vector<1x16xi32> to vector<16xi32>
      %and3A = arith.constant 16383 : i32
      %and3A_53 = vector.broadcast %and3A : i32 to vector<16xi32>
      %and3A_54 = arith.andi %get3A_52, %and3A_53 : vector<16xi32>
      %swap3A = arith.index_cast %multiple_of3A_48 : i32 to index
      %swap3A_55 = tpu.vector_load %arg9[%swap3A] {strides = array<i32>} : memref<128xi32, #tpu.memory_space<vmem>>, vector<16xi32>,
      %swap3A_56 = vector.shape_cast %swap3A_55 : vector<16xi32> to vector<16xi32>
      %swap3A_57 = vector.shape_cast %and3A_54 : vector<16xi32> to vector<16xi32>
      tpu.vector_store %arg9[%swap3A], %swap3A_57 {strides = array<i32>} : memref<128xi32, #tpu.memory_space<vmem>>, vector<16xi32>,
      %shift_right_logical3A = arith.constant 14 : i32
      %shift_right_logical3A_58 = vector.broadcast %shift_right_logical3A : i32 to vector<16xi32>
      %shift_right_logical3A_59 = arith.shrui %get3A_52, %shift_right_logical3A_58 : vector<16xi32>
      %swap3A_60 = arith.index_cast %multiple_of3A_48 : i32 to index
      %swap3A_61 = tpu.vector_load %arg10[%swap3A_60] {strides = array<i32>} : memref<128xi32, #tpu.memory_space<vmem>>, vector<16xi32>,
      %swap3A_62 = vector.shape_cast %swap3A_61 : vector<16xi32> to vector<16xi32>
      %swap3A_63 = vector.shape_cast %shift_right_logical3A_59 : vector<16xi32> to vector<16xi32>
      tpu.vector_store %arg10[%swap3A_60], %swap3A_63 {strides = array<i32>} : memref<128xi32, #tpu.memory_space<vmem>>, vector<16xi32>,
    }
    %scan3A_17 = arith.constant 8 : i32
    %dma_start3A_18 = arith.constant 0 : i32
    %dma_start3A_19 = arith.constant 0 : i32
    %dma_start3A_20 = tpu.memref_slice %arg2[%dma_start3A_18, %dma_start3A_19] : memref<10000x128xf32, #tpu.memory_space<hbm>> -> memref<10000x128xf32, #tpu.memory_space<hbm>>
    tpu.enqueue_indirect_dma source(%dma_start3A_20 : memref<10000x128xf32, #tpu.memory_space<hbm>>) target(%arg12 : memref<128x128xf32, #tpu.memory_space<vmem>>) offsets(%arg9 : memref<128xi32, #tpu.memory_space<vmem>>) semaphore(%arg15 : memref<!tpu.dma_semaphore, #tpu.memory_space<semaphore_mem>>)
    %scan3A_21 = arith.constant 0 : i32
    %scan3A_22 = arith.constant 40 : i32
    %scan3A_23 = arith.addi %scan3A_21, %scan3A_22 : i32
    %scan3A_24 = arith.constant 1 : i32
    scf.for %scan3A_43 = %scan3A_21 to %scan3A_23 step %scan3A_24  : i32 {
      %mul3A_44 = arith.constant 2 : i32
      %mul3A_45 = arith.muli %scan3A_43, %mul3A_44 : i32
      %add3A_46 = arith.constant 0 : i32
      %add3A_47 = arith.addi %add3A_46, %mul3A_45 : i32
      %dma_wait3A_48 = arith.constant 0 : i32
      %dma_wait3A_49 = arith.constant 0 : i32
      %dma_wait3A_50 = tpu.memref_slice %arg2[%dma_wait3A_48, %dma_wait3A_49] : memref<10000x128xf32, #tpu.memory_space<hbm>> -> memref<10000x128xf32, #tpu.memory_space<hbm>>
      tpu.wait_indirect_dma semaphore(%arg14 : memref<!tpu.dma_semaphore, #tpu.memory_space<semaphore_mem>>) src(%dma_wait3A_50 : memref<10000x128xf32, #tpu.memory_space<hbm>>) dst(%arg11 : memref<128x128xf32, #tpu.memory_space<vmem>>)
      %dma_start3A_51 = arith.constant 0 : i32
      %dma_start3A_52 = arith.constant 0 : i32
      %dma_start3A_53 = tpu.memref_slice %arg13[%dma_start3A_51, %dma_start3A_52] : memref<10128x128xf32, #tpu.memory_space<vmem_shared>> -> memref<10128x128xf32, #tpu.memory_space<vmem_shared>>
      tpu.enqueue_indirect_dma source(%arg11 : memref<128x128xf32, #tpu.memory_space<vmem>>) target(%dma_start3A_53 : memref<10128x128xf32, #tpu.memory_space<vmem_shared>>) offsets(%arg8 : memref<128xi32, #tpu.memory_space<vmem>>) semaphore(%arg16 : memref<!tpu.dma_semaphore, #tpu.memory_space<semaphore_mem>>) {add = true}
      %add3A_54 = arith.constant 1 : i32
      %add3A_55 = arith.addi %add3A_47, %add3A_54 : i32
      %lt3A_56 = arith.constant 79 : i32
      %lt3A_57 = arith.cmpi slt, %add3A_55, %lt3A_56 : i32
      %convert_element_type3A_58 = arith.extui %lt3A_57 : i1 to i32
      %cond3A_59 = arith.constant 0 : i32
      %cond3A_60 = arith.cmpi ne, %convert_element_type3A_58, %cond3A_59 : i32
      scf.if %cond3A_60 {
        %dma_wait3A_75 = arith.constant 0 : i32
        %dma_wait3A_76 = arith.constant 0 : i32
        %dma_wait3A_77 = tpu.memref_slice %arg2[%dma_wait3A_75, %dma_wait3A_76] : memref<10000x128xf32, #tpu.memory_space<hbm>> -> memref<10000x128xf32, #tpu.memory_space<hbm>>
        tpu.wait_indirect_dma semaphore(%arg15 : memref<!tpu.dma_semaphore, #tpu.memory_space<semaphore_mem>>) src(%dma_wait3A_77 : memref<10000x128xf32, #tpu.memory_space<hbm>>) dst(%arg12 : memref<128x128xf32, #tpu.memory_space<vmem>>)
        %dma_start3A_78 = arith.constant 0 : i32
        %dma_start3A_79 = arith.constant 0 : i32
        %dma_start3A_80 = tpu.memref_slice %arg13[%dma_start3A_78, %dma_start3A_79] : memref<10128x128xf32, #tpu.memory_space<vmem_shared>> -> memref<10128x128xf32, #tpu.memory_space<vmem_shared>>
        tpu.enqueue_indirect_dma source(%arg12 : memref<128x128xf32, #tpu.memory_space<vmem>>) target(%dma_start3A_80 : memref<10128x128xf32, #tpu.memory_space<vmem_shared>>) offsets(%arg10 : memref<128xi32, #tpu.memory_space<vmem>>) semaphore(%arg17 : memref<!tpu.dma_semaphore, #tpu.memory_space<semaphore_mem>>) {add = true}
      } else {
      }
      %add3A_61 = arith.constant 2 : i32
      %add3A_62 = arith.addi %add3A_47, %add3A_61 : i32
      %lt3A_63 = arith.constant 79 : i32
      %lt3A_64 = arith.cmpi slt, %add3A_62, %lt3A_63 : i32
      %convert_element_type3A_65 = arith.extui %lt3A_64 : i1 to i32
      %cond3A_66 = arith.constant 0 : i32
      %cond3A_67 = arith.cmpi ne, %convert_element_type3A_65, %cond3A_66 : i32
      scf.if %cond3A_67 {
        %dma_wait3A_75 = arith.constant 0 : i32
        %dma_wait3A_76 = arith.constant 0 : i32
        %dma_wait3A_77 = tpu.memref_slice %arg13[%dma_wait3A_75, %dma_wait3A_76] : memref<10128x128xf32, #tpu.memory_space<vmem_shared>> -> memref<10128x128xf32, #tpu.memory_space<vmem_shared>>
        tpu.wait_indirect_dma semaphore(%arg16 : memref<!tpu.dma_semaphore, #tpu.memory_space<semaphore_mem>>) src(%arg11 : memref<128x128xf32, #tpu.memory_space<vmem>>) dst(%dma_wait3A_77 : memref<10128x128xf32, #tpu.memory_space<vmem_shared>>)
        %add3A_78 = arith.constant 2 : i32
        %add3A_79 = arith.addi %add3A_47, %add3A_78 : i32
        %scan3A_80 = arith.constant 0 : i32
        %scan3A_81 = arith.constant 8 : i32
        %scan3A_82 = arith.addi %scan3A_80, %scan3A_81 : i32
        %scan3A_83 = arith.constant 1 : i32
        scf.for %scan3A_88 = %scan3A_80 to %scan3A_82 step %scan3A_83  : i32 {
          %mul3A_89 = arith.constant 16 : i32
          %mul3A_90 = arith.muli %scan3A_88, %mul3A_89 : i32
          %add3A_91 = arith.constant 0 : i32
          %add3A_92 = arith.addi %add3A_91, %mul3A_90 : i32
          %multiple_of3A_93 = tpu.assume_multiple %add3A_92, 8 : i32
          %get3A = arith.index_cast %add3A_79 : i32 to index
          %get3A_94 = arith.index_cast %multiple_of3A_93 : i32 to index
          %get3A_95 = tpu.vector_load %arg6[%get3A, %get3A_94] {strides = array<i32>} : memref<79x128xi32, #tpu.memory_space<vmem>>, vector<1x16xi32>,
          %get3A_96 = vector.shape_cast %get3A_95 : vector<1x16xi32> to vector<16xi32>
          %and3A = arith.constant 16383 : i32
          %and3A_97 = vector.broadcast %and3A : i32 to vector<16xi32>
          %and3A_98 = arith.andi %get3A_96, %and3A_97 : vector<16xi32>
          %swap3A = arith.index_cast %multiple_of3A_93 : i32 to index
          %swap3A_99 = tpu.vector_load %arg7[%swap3A] {strides = array<i32>} : memref<128xi32, #tpu.memory_space<vmem>>, vector<16xi32>,
          %swap3A_100 = vector.shape_cast %swap3A_99 : vector<16xi32> to vector<16xi32>
          %swap3A_101 = vector.shape_cast %and3A_98 : vector<16xi32> to vector<16xi32>
          tpu.vector_store %arg7[%swap3A], %swap3A_101 {strides = array<i32>} : memref<128xi32, #tpu.memory_space<vmem>>, vector<16xi32>,
          %shift_right_logical3A = arith.constant 14 : i32
          %shift_right_logical3A_102 = vector.broadcast %shift_right_logical3A : i32 to vector<16xi32>
          %shift_right_logical3A_103 = arith.shrui %get3A_96, %shift_right_logical3A_102 : vector<16xi32>
          %swap3A_104 = arith.index_cast %multiple_of3A_93 : i32 to index
          %swap3A_105 = tpu.vector_load %arg8[%swap3A_104] {strides = array<i32>} : memref<128xi32, #tpu.memory_space<vmem>>, vector<16xi32>,
          %swap3A_106 = vector.shape_cast %swap3A_105 : vector<16xi32> to vector<16xi32>
          %swap3A_107 = vector.shape_cast %shift_right_logical3A_103 : vector<16xi32> to vector<16xi32>
          tpu.vector_store %arg8[%swap3A_104], %swap3A_107 {strides = array<i32>} : memref<128xi32, #tpu.memory_space<vmem>>, vector<16xi32>,
        }
        %scan3A_84 = arith.constant 8 : i32
        %dma_start3A_85 = arith.constant 0 : i32
        %dma_start3A_86 = arith.constant 0 : i32
        %dma_start3A_87 = tpu.memref_slice %arg2[%dma_start3A_85, %dma_start3A_86] : memref<10000x128xf32, #tpu.memory_space<hbm>> -> memref<10000x128xf32, #tpu.memory_space<hbm>>
        tpu.enqueue_indirect_dma source(%dma_start3A_87 : memref<10000x128xf32, #tpu.memory_space<hbm>>) target(%arg11 : memref<128x128xf32, #tpu.memory_space<vmem>>) offsets(%arg7 : memref<128xi32, #tpu.memory_space<vmem>>) semaphore(%arg14 : memref<!tpu.dma_semaphore, #tpu.memory_space<semaphore_mem>>)
      } else {
      }
      %add3A_68 = arith.constant 3 : i32
      %add3A_69 = arith.addi %add3A_47, %add3A_68 : i32
      %lt3A_70 = arith.constant 79 : i32
      %lt3A_71 = arith.cmpi slt, %add3A_69, %lt3A_70 : i32
      %convert_element_type3A_72 = arith.extui %lt3A_71 : i1 to i32
      %cond3A_73 = arith.constant 0 : i32
      %cond3A_74 = arith.cmpi ne, %convert_element_type3A_72, %cond3A_73 : i32
      scf.if %cond3A_74 {
        %dma_wait3A_75 = arith.constant 0 : i32
        %dma_wait3A_76 = arith.constant 0 : i32
        %dma_wait3A_77 = tpu.memref_slice %arg13[%dma_wait3A_75, %dma_wait3A_76] : memref<10128x128xf32, #tpu.memory_space<vmem_shared>> -> memref<10128x128xf32, #tpu.memory_space<vmem_shared>>
        tpu.wait_indirect_dma semaphore(%arg17 : memref<!tpu.dma_semaphore, #tpu.memory_space<semaphore_mem>>) src(%arg12 : memref<128x128xf32, #tpu.memory_space<vmem>>) dst(%dma_wait3A_77 : memref<10128x128xf32, #tpu.memory_space<vmem_shared>>)
        %add3A_78 = arith.constant 3 : i32
        %add3A_79 = arith.addi %add3A_47, %add3A_78 : i32
        %scan3A_80 = arith.constant 0 : i32
        %scan3A_81 = arith.constant 8 : i32
        %scan3A_82 = arith.addi %scan3A_80, %scan3A_81 : i32
        %scan3A_83 = arith.constant 1 : i32
        scf.for %scan3A_88 = %scan3A_80 to %scan3A_82 step %scan3A_83  : i32 {
          %mul3A_89 = arith.constant 16 : i32
          %mul3A_90 = arith.muli %scan3A_88, %mul3A_89 : i32
          %add3A_91 = arith.constant 0 : i32
          %add3A_92 = arith.addi %add3A_91, %mul3A_90 : i32
          %multiple_of3A_93 = tpu.assume_multiple %add3A_92, 8 : i32
          %get3A = arith.index_cast %add3A_79 : i32 to index
          %get3A_94 = arith.index_cast %multiple_of3A_93 : i32 to index
          %get3A_95 = tpu.vector_load %arg6[%get3A, %get3A_94] {strides = array<i32>} : memref<79x128xi32, #tpu.memory_space<vmem>>, vector<1x16xi32>,
          %get3A_96 = vector.shape_cast %get3A_95 : vector<1x16xi32> to vector<16xi32>
          %and3A = arith.constant 16383 : i32
          %and3A_97 = vector.broadcast %and3A : i32 to vector<16xi32>
          %and3A_98 = arith.andi %get3A_96, %and3A_97 : vector<16xi32>
          %swap3A = arith.index_cast %multiple_of3A_93 : i32 to index
          %swap3A_99 = tpu.vector_load %arg9[%swap3A] {strides = array<i32>} : memref<128xi32, #tpu.memory_space<vmem>>, vector<16xi32>,
          %swap3A_100 = vector.shape_cast %swap3A_99 : vector<16xi32> to vector<16xi32>
          %swap3A_101 = vector.shape_cast %and3A_98 : vector<16xi32> to vector<16xi32>
          tpu.vector_store %arg9[%swap3A], %swap3A_101 {strides = array<i32>} : memref<128xi32, #tpu.memory_space<vmem>>, vector<16xi32>,
          %shift_right_logical3A = arith.constant 14 : i32
          %shift_right_logical3A_102 = vector.broadcast %shift_right_logical3A : i32 to vector<16xi32>
          %shift_right_logical3A_103 = arith.shrui %get3A_96, %shift_right_logical3A_102 : vector<16xi32>
          %swap3A_104 = arith.index_cast %multiple_of3A_93 : i32 to index
          %swap3A_105 = tpu.vector_load %arg10[%swap3A_104] {strides = array<i32>} : memref<128xi32, #tpu.memory_space<vmem>>, vector<16xi32>,
          %swap3A_106 = vector.shape_cast %swap3A_105 : vector<16xi32> to vector<16xi32>
          %swap3A_107 = vector.shape_cast %shift_right_logical3A_103 : vector<16xi32> to vector<16xi32>
          tpu.vector_store %arg10[%swap3A_104], %swap3A_107 {strides = array<i32>} : memref<128xi32, #tpu.memory_space<vmem>>, vector<16xi32>,
        }
        %scan3A_84 = arith.constant 8 : i32
        %dma_start3A_85 = arith.constant 0 : i32
        %dma_start3A_86 = arith.constant 0 : i32
        %dma_start3A_87 = tpu.memref_slice %arg2[%dma_start3A_85, %dma_start3A_86] : memref<10000x128xf32, #tpu.memory_space<hbm>> -> memref<10000x128xf32, #tpu.memory_space<hbm>>
        tpu.enqueue_indirect_dma source(%dma_start3A_87 : memref<10000x128xf32, #tpu.memory_space<hbm>>) target(%arg12 : memref<128x128xf32, #tpu.memory_space<vmem>>) offsets(%arg9 : memref<128xi32, #tpu.memory_space<vmem>>) semaphore(%arg15 : memref<!tpu.dma_semaphore, #tpu.memory_space<semaphore_mem>>)
      } else {
      }
    }
    %scan3A_25 = arith.constant 40 : i32
    %dma_wait3A = arith.constant 0 : i32
    %dma_wait3A_26 = arith.constant 0 : i32
    %dma_wait3A_27 = tpu.memref_slice %arg13[%dma_wait3A, %dma_wait3A_26] : memref<10128x128xf32, #tpu.memory_space<vmem_shared>> -> memref<10128x128xf32, #tpu.memory_space<vmem_shared>>
    tpu.wait_indirect_dma semaphore(%arg16 : memref<!tpu.dma_semaphore, #tpu.memory_space<semaphore_mem>>) src(%arg11 : memref<128x128xf32, #tpu.memory_space<vmem>>) dst(%dma_wait3A_27 : memref<10128x128xf32, #tpu.memory_space<vmem_shared>>)
    %dma_wait3A_28 = arith.constant 0 : i32
    %dma_wait3A_29 = arith.constant 0 : i32
    %dma_wait3A_30 = tpu.memref_slice %arg13[%dma_wait3A_28, %dma_wait3A_29] : memref<10128x128xf32, #tpu.memory_space<vmem_shared>> -> memref<10128x128xf32, #tpu.memory_space<vmem_shared>>
    tpu.wait_indirect_dma semaphore(%arg17 : memref<!tpu.dma_semaphore, #tpu.memory_space<semaphore_mem>>) src(%arg12 : memref<128x128xf32, #tpu.memory_space<vmem>>) dst(%dma_wait3A_30 : memref<10128x128xf32, #tpu.memory_space<vmem_shared>>)
    %barrier3A_31 = arith.constant 0 : index
    tpu.barrier barrier_id(%barrier3A_31)
    %mul3A_32 = arith.constant 624 : i32
    %mul3A_33 = arith.muli %arg1, %mul3A_32 : i32
    %multiple_of3A = tpu.assume_multiple %mul3A_33, 8 : i32
    %lt3A = arith.constant 15 : i32
    %lt3A_34 = arith.cmpi slt, %arg1, %lt3A : i32
    %convert_element_type3A_35 = arith.extui %lt3A_34 : i1 to i32
    %cond3A_36 = arith.constant 0 : i32
    %cond3A_37 = arith.cmpi ne, %convert_element_type3A_35, %cond3A_36 : i32
    scf.if %cond3A_37 {
      "tpu.region"() ({
        %run_scoped3A = tpu.sem_alloc : memref<!tpu.dma_semaphore, #tpu.memory_space<semaphore_mem>>
        %dma_start3A_43 = arith.constant 0 : i32
        %dma_start3A_44 = arith.constant 0 : i32
        %dma_start3A_45 = tpu.memref_slice %arg5[%arg0, %dma_start3A_43, %dma_start3A_44] : memref<2x10000x128xf32, #tpu.memory_space<hbm>> -> memref<1x10000x128xf32, #tpu.memory_space<hbm>>
        %dma_start3A_46 = tpu.memref_squeeze %dma_start3A_45 : memref<1x10000x128xf32, #tpu.memory_space<hbm>> -> memref<10000x128xf32, #tpu.memory_space<hbm>>
        %dma_start3A_47 = arith.constant 0 : i32
        %dma_start3A_48 = tpu.memref_slice %dma_start3A_46[%multiple_of3A, %dma_start3A_47] : memref<10000x128xf32, #tpu.memory_space<hbm>> -> memref<624x128xf32, #tpu.memory_space<hbm>>
        %dma_start3A_49 = arith.constant 0 : i32
        %dma_start3A_50 = tpu.memref_slice %arg13[%multiple_of3A, %dma_start3A_49] : memref<10128x128xf32, #tpu.memory_space<vmem_shared>> -> memref<624x128xf32, #tpu.memory_space<vmem_shared>>
        tpu.enqueue_dma source(%dma_start3A_50 : memref<624x128xf32, #tpu.memory_space<vmem_shared>>) target(%dma_start3A_48 : memref<624x128xf32, #tpu.memory_space<hbm>>) target_semaphore(%run_scoped3A : memref<!tpu.dma_semaphore, #tpu.memory_space<semaphore_mem>>)
        %dma_wait3A_51 = arith.constant 0 : i32
        %dma_wait3A_52 = arith.constant 0 : i32
        %dma_wait3A_53 = tpu.memref_slice %arg5[%arg0, %dma_wait3A_51, %dma_wait3A_52] : memref<2x10000x128xf32, #tpu.memory_space<hbm>> -> memref<1x10000x128xf32, #tpu.memory_space<hbm>>
        %dma_wait3A_54 = tpu.memref_squeeze %dma_wait3A_53 : memref<1x10000x128xf32, #tpu.memory_space<hbm>> -> memref<10000x128xf32, #tpu.memory_space<hbm>>
        %dma_wait3A_55 = arith.constant 0 : i32
        %dma_wait3A_56 = tpu.memref_slice %dma_wait3A_54[%multiple_of3A, %dma_wait3A_55] : memref<10000x128xf32, #tpu.memory_space<hbm>> -> memref<624x128xf32, #tpu.memory_space<hbm>>
        %dma_wait3A_57 = arith.constant 0 : i32
        %dma_wait3A_58 = tpu.memref_slice %arg13[%multiple_of3A, %dma_wait3A_57] : memref<10128x128xf32, #tpu.memory_space<vmem_shared>> -> memref<624x128xf32, #tpu.memory_space<vmem_shared>>
        tpu.wait_dma2 semaphore(%run_scoped3A : memref<!tpu.dma_semaphore, #tpu.memory_space<semaphore_mem>>) src(%dma_wait3A_58 : memref<624x128xf32, #tpu.memory_space<vmem_shared>>) dst(%dma_wait3A_56 : memref<624x128xf32, #tpu.memory_space<hbm>>)
        tpu.yield
      }) : () -> ()
    } else {
    }
    %eq3A_38 = arith.constant 15 : i32
    %eq3A_39 = arith.cmpi eq, %arg1, %eq3A_38 : i32
    %convert_element_type3A_40 = arith.extui %eq3A_39 : i1 to i32
    %cond3A_41 = arith.constant 0 : i32
    %cond3A_42 = arith.cmpi ne, %convert_element_type3A_40, %cond3A_41 : i32
    scf.if %cond3A_42 {
      "tpu.region"() ({
        %run_scoped3A = tpu.sem_alloc : memref<!tpu.dma_semaphore, #tpu.memory_space<semaphore_mem>>
        %dma_start3A_43 = arith.constant 0 : i32
        %dma_start3A_44 = arith.constant 0 : i32
        %dma_start3A_45 = tpu.memref_slice %arg5[%arg0, %dma_start3A_43, %dma_start3A_44] : memref<2x10000x128xf32, #tpu.memory_space<hbm>> -> memref<1x10000x128xf32, #tpu.memory_space<hbm>>
        %dma_start3A_46 = tpu.memref_squeeze %dma_start3A_45 : memref<1x10000x128xf32, #tpu.memory_space<hbm>> -> memref<10000x128xf32, #tpu.memory_space<hbm>>
        %dma_start3A_47 = arith.constant 9360 : i32
        %dma_start3A_48 = arith.constant 0 : i32
        %dma_start3A_49 = tpu.memref_slice %dma_start3A_46[%dma_start3A_47, %dma_start3A_48] : memref<10000x128xf32, #tpu.memory_space<hbm>> -> memref<640x128xf32, #tpu.memory_space<hbm>>
        %dma_start3A_50 = arith.constant 9360 : i32
        %dma_start3A_51 = arith.constant 0 : i32
        %dma_start3A_52 = tpu.memref_slice %arg13[%dma_start3A_50, %dma_start3A_51] : memref<10128x128xf32, #tpu.memory_space<vmem_shared>> -> memref<640x128xf32, #tpu.memory_space<vmem_shared>>
        tpu.enqueue_dma source(%dma_start3A_52 : memref<640x128xf32, #tpu.memory_space<vmem_shared>>) target(%dma_start3A_49 : memref<640x128xf32, #tpu.memory_space<hbm>>) target_semaphore(%run_scoped3A : memref<!tpu.dma_semaphore, #tpu.memory_space<semaphore_mem>>)
        %dma_wait3A_53 = arith.constant 0 : i32
        %dma_wait3A_54 = arith.constant 0 : i32
        %dma_wait3A_55 = tpu.memref_slice %arg5[%arg0, %dma_wait3A_53, %dma_wait3A_54] : memref<2x10000x128xf32, #tpu.memory_space<hbm>> -> memref<1x10000x128xf32, #tpu.memory_space<hbm>>
        %dma_wait3A_56 = tpu.memref_squeeze %dma_wait3A_55 : memref<1x10000x128xf32, #tpu.memory_space<hbm>> -> memref<10000x128xf32, #tpu.memory_space<hbm>>
        %dma_wait3A_57 = arith.constant 9360 : i32
        %dma_wait3A_58 = arith.constant 0 : i32
        %dma_wait3A_59 = tpu.memref_slice %dma_wait3A_56[%dma_wait3A_57, %dma_wait3A_58] : memref<10000x128xf32, #tpu.memory_space<hbm>> -> memref<640x128xf32, #tpu.memory_space<hbm>>
        %dma_wait3A_60 = arith.constant 9360 : i32
        %dma_wait3A_61 = arith.constant 0 : i32
        %dma_wait3A_62 = tpu.memref_slice %arg13[%dma_wait3A_60, %dma_wait3A_61] : memref<10128x128xf32, #tpu.memory_space<vmem_shared>> -> memref<640x128xf32, #tpu.memory_space<vmem_shared>>
        tpu.wait_dma2 semaphore(%run_scoped3A : memref<!tpu.dma_semaphore, #tpu.memory_space<semaphore_mem>>) src(%dma_wait3A_62 : memref<640x128xf32, #tpu.memory_space<vmem_shared>>) dst(%dma_wait3A_59 : memref<640x128xf32, #tpu.memory_space<hbm>>)
        tpu.yield
      }) : () -> ()
    } else {
    }
    return
  }
}

module attributes {stable_mosaic.version = 14 : i64} {
  func.func @body(%arg0: i32, %arg1: memref<2000x128xf32, #tpu.memory_space<vmem>>, %arg2: memref<128x128xf32, #tpu.memory_space<vmem>>, %arg3: memref<2000x128xf32, #tpu.memory_space<vmem>>) attributes {dimension_semantics = [#tpu.dimension_semantics<arbitrary>], iteration_bounds = array<i64: 5>, scalar_prefetch = 0 : i64, scratch_operands = 0 : i64, tpu.core_type = #tpu.core_type<tc>, window_params = [{transform_indices = @transform_0, window_bounds = array<i64: 2000, 128>}, {pipeline_mode = #tpu.pipeline_mode<synchronous>, transform_indices = @transform_1, window_bounds = array<i64: 128, 128>}, {transform_indices = @transform_2, window_bounds = array<i64: 2000, 128>}]} {
    %get3A = arith.constant 0 : index
    %get3A_0 = arith.constant 0 : index
    %get3A_1 = vector.load %arg1[%get3A, %get3A_0] : memref<2000x128xf32, #tpu.memory_space<vmem>>, vector<2000x128xf32>
    %get3A_2 = arith.constant 0 : index
    %get3A_3 = arith.constant 0 : index
    %get3A_4 = vector.load %arg2[%get3A_2, %get3A_3] : memref<128x128xf32, #tpu.memory_space<vmem>>, vector<128x128xf32>
    %dot_general3A = arith.constant dense<0.000000e+00> : vector<2000x128xf32>
    %dot_general3A_5 = tpu.matmul %get3A_1, %get3A_4, %dot_general3A {dimension_numbers = #tpu.dot_dimension_numbers<[1], [0], [0], [1], [0, 0, 1, 1], [], []>, transpose_lhs_hint = false} : vector<2000x128xf32>, vector<128x128xf32>, vector<2000x128xf32> -> vector<2000x128xf32>
    %swap3A = arith.constant 0 : index
    %swap3A_6 = arith.constant 0 : index
    %swap3A_7 = vector.load %arg3[%swap3A, %swap3A_6] : memref<2000x128xf32, #tpu.memory_space<vmem>>, vector<2000x128xf32>
    tpu.vector_store %arg3[%swap3A, %swap3A_6], %dot_general3A_5 {strides = array<i32>} : memref<2000x128xf32, #tpu.memory_space<vmem>>, vector<2000x128xf32>,
    return
  }
  func.func @transform_0(%arg0: i32) -> (i32, i32) {
    %c0_i32 = arith.constant 0 : i32
    %c0_i32_0 = arith.constant 0 : i32
    return %arg0, %c0_i32 : i32, i32
  }
  func.func @transform_1(%arg0: i32) -> (i32, i32) {
    %c0_i32 = arith.constant 0 : i32
    %c0_i32_0 = arith.constant 0 : i32
    %c0_i32_1 = arith.constant 0 : i32
    return %c0_i32, %c0_i32_0 : i32, i32
  }
  func.func @transform_2(%arg0: i32) -> (i32, i32) {
    %c0_i32 = arith.constant 0 : i32
    %c0_i32_0 = arith.constant 0 : i32
    return %arg0, %c0_i32 : i32, i32
  }
}

module attributes {stable_mosaic.version = 14 : i64} {
  func.func @body(%arg0: i32, %arg1: memref<2x2000x128xf32, #tpu.memory_space<vmem>>, %arg2: memref<2000x128xf32, #tpu.memory_space<vmem>>, %arg3: memref<2000x128xf32, #tpu.memory_space<vmem>>) attributes {dimension_semantics = [#tpu.dimension_semantics<arbitrary>], iteration_bounds = array<i64: 5>, scalar_prefetch = 0 : i64, scratch_operands = 0 : i64, tpu.core_type = #tpu.core_type<tc>, window_params = [{transform_indices = @transform_0, window_bounds = array<i64: 2, 2000, 128>}, {transform_indices = @transform_1, window_bounds = array<i64: 2000, 128>}, {transform_indices = @transform_2, window_bounds = array<i64: 2000, 128>}]} {
    %get3A = arith.constant 0 : index
    %get3A_0 = arith.constant 0 : index
    %get3A_1 = vector.load %arg2[%get3A, %get3A_0] : memref<2000x128xf32, #tpu.memory_space<vmem>>, vector<2000x128xf32>
    %get3A_2 = arith.constant 0 : index
    %get3A_3 = arith.constant 0 : index
    %get3A_4 = arith.constant 0 : index
    %get3A_5 = vector.load %arg1[%get3A_2, %get3A_3, %get3A_4] : memref<2x2000x128xf32, #tpu.memory_space<vmem>>, vector<1x2000x1xf32>
    %get3A_6 = vector.shape_cast %get3A_5 : vector<1x2000x1xf32> to vector<2000x1xf32>
    %get3A_7 = arith.constant 1 : index
    %get3A_8 = arith.constant 0 : index
    %get3A_9 = arith.constant 0 : index
    %get3A_10 = vector.load %arg1[%get3A_7, %get3A_8, %get3A_9] : memref<2x2000x128xf32, #tpu.memory_space<vmem>>, vector<1x2000x1xf32>
    %get3A_11 = vector.shape_cast %get3A_10 : vector<1x2000x1xf32> to vector<2000x1xf32>
    %add3A = arith.addf %get3A_6, %get3A_11 : vector<2000x1xf32>
    %add3A_12 = arith.constant 1.000000e+00 : f32
    %add3A_13 = vector.broadcast %add3A_12 : f32 to vector<2000x1xf32>
    %add3A_14 = arith.addf %add3A, %add3A_13 : vector<2000x1xf32>
    %rsqrt3A = math.rsqrt %add3A_14 : vector<2000x1xf32>
    %mul3A = vector.broadcast %rsqrt3A : vector<2000x1xf32> to vector<2000x128xf32>
    %mul3A_15 = arith.mulf %get3A_1, %mul3A : vector<2000x128xf32>
    %swap3A = arith.constant 0 : index
    %swap3A_16 = arith.constant 0 : index
    %swap3A_17 = vector.load %arg3[%swap3A, %swap3A_16] : memref<2000x128xf32, #tpu.memory_space<vmem>>, vector<2000x128xf32>
    tpu.vector_store %arg3[%swap3A, %swap3A_16], %mul3A_15 {strides = array<i32>} : memref<2000x128xf32, #tpu.memory_space<vmem>>, vector<2000x128xf32>,
    return
  }
  func.func @transform_0(%arg0: i32) -> (i32, i32, i32) {
    %c0_i32 = arith.constant 0 : i32
    %c0_i32_0 = arith.constant 0 : i32
    %c0_i32_1 = arith.constant 0 : i32
    return %c0_i32, %arg0, %c0_i32_0 : i32, i32, i32
  }
  func.func @transform_1(%arg0: i32) -> (i32, i32) {
    %c0_i32 = arith.constant 0 : i32
    %c0_i32_0 = arith.constant 0 : i32
    return %arg0, %c0_i32 : i32, i32
  }
  func.func @transform_2(%arg0: i32) -> (i32, i32) {
    %c0_i32 = arith.constant 0 : i32
    %c0_i32_0 = arith.constant 0 : i32
    return %arg0, %c0_i32 : i32, i32
  }
}

module attributes {stable_mosaic.version = 14 : i64} {
  func.func @body(%arg0: i32, %arg1: memref<2x2000x128xf32, #tpu.memory_space<vmem>>, %arg2: memref<2x2000x128xf32, #tpu.memory_space<vmem>>, %arg3: memref<1x128xf32, #tpu.memory_space<vmem>>, %arg4: memref<128x128xf32, #tpu.memory_space<vmem>>, %arg5: memref<2000x128xf32, #tpu.memory_space<vmem>>) attributes {dimension_semantics = [#tpu.dimension_semantics<arbitrary>], iteration_bounds = array<i64: 5>, scalar_prefetch = 0 : i64, scratch_operands = 0 : i64, tpu.core_type = #tpu.core_type<tc>, window_params = [{transform_indices = @transform_0, window_bounds = array<i64: 2, 2000, 128>}, {transform_indices = @transform_1, window_bounds = array<i64: 2, 2000, 128>}, {pipeline_mode = #tpu.pipeline_mode<synchronous>, transform_indices = @transform_2, window_bounds = array<i64: 1, 128>}, {pipeline_mode = #tpu.pipeline_mode<synchronous>, transform_indices = @transform_3, window_bounds = array<i64: 128, 128>}, {transform_indices = @transform_4, window_bounds = array<i64: 2000, 128>}]} {
    %get3A = arith.constant 0 : index
    %get3A_0 = arith.constant 0 : index
    %get3A_1 = arith.constant 0 : index
    %get3A_2 = vector.load %arg2[%get3A, %get3A_0, %get3A_1] : memref<2x2000x128xf32, #tpu.memory_space<vmem>>, vector<1x2000x1xf32>
    %get3A_3 = vector.shape_cast %get3A_2 : vector<1x2000x1xf32> to vector<2000x1xf32>
    %get3A_4 = arith.constant 1 : index
    %get3A_5 = arith.constant 0 : index
    %get3A_6 = arith.constant 0 : index
    %get3A_7 = vector.load %arg2[%get3A_4, %get3A_5, %get3A_6] : memref<2x2000x128xf32, #tpu.memory_space<vmem>>, vector<1x2000x1xf32>
    %get3A_8 = vector.shape_cast %get3A_7 : vector<1x2000x1xf32> to vector<2000x1xf32>
    %add3A = arith.addf %get3A_3, %get3A_8 : vector<2000x1xf32>
    %add3A_9 = arith.constant 1.000000e+00 : f32
    %add3A_10 = vector.broadcast %add3A_9 : f32 to vector<2000x1xf32>
    %add3A_11 = arith.addf %add3A, %add3A_10 : vector<2000x1xf32>
    %rsqrt3A = math.rsqrt %add3A_11 : vector<2000x1xf32>
    %get3A_12 = arith.constant 0 : index
    %get3A_13 = arith.constant 0 : index
    %get3A_14 = arith.constant 0 : index
    %get3A_15 = vector.load %arg1[%get3A_12, %get3A_13, %get3A_14] : memref<2x2000x128xf32, #tpu.memory_space<vmem>>, vector<1x2000x128xf32>
    %get3A_16 = vector.shape_cast %get3A_15 : vector<1x2000x128xf32> to vector<2000x128xf32>
    %get3A_17 = arith.constant 1 : index
    %get3A_18 = arith.constant 0 : index
    %get3A_19 = arith.constant 0 : index
    %get3A_20 = vector.load %arg1[%get3A_17, %get3A_18, %get3A_19] : memref<2x2000x128xf32, #tpu.memory_space<vmem>>, vector<1x2000x128xf32>
    %get3A_21 = vector.shape_cast %get3A_20 : vector<1x2000x128xf32> to vector<2000x128xf32>
    %add3A_22 = arith.addf %get3A_16, %get3A_21 : vector<2000x128xf32>
    %mul3A = vector.broadcast %rsqrt3A : vector<2000x1xf32> to vector<2000x128xf32>
    %mul3A_23 = arith.mulf %add3A_22, %mul3A : vector<2000x128xf32>
    %get3A_24 = arith.constant 0 : index
    %get3A_25 = arith.constant 0 : index
    %get3A_26 = vector.load %arg3[%get3A_24, %get3A_25] : memref<1x128xf32, #tpu.memory_space<vmem>>, vector<1x128xf32>
    %add3A_27 = vector.broadcast %get3A_26 : vector<1x128xf32> to vector<2000x128xf32>
    %add3A_28 = arith.addf %mul3A_23, %add3A_27 : vector<2000x128xf32>
    %max3A = arith.constant 0.000000e+00 : f32
    %max3A_29 = vector.broadcast %max3A : f32 to vector<2000x128xf32>
    %max3A_30 = arith.maximumf %add3A_28, %max3A_29 : vector<2000x128xf32>
    %get3A_31 = arith.constant 0 : index
    %get3A_32 = arith.constant 0 : index
    %get3A_33 = vector.load %arg4[%get3A_31, %get3A_32] : memref<128x128xf32, #tpu.memory_space<vmem>>, vector<128x128xf32>
    %dot_general3A = arith.constant dense<0.000000e+00> : vector<2000x128xf32>
    %dot_general3A_34 = tpu.matmul %max3A_30, %get3A_33, %dot_general3A {dimension_numbers = #tpu.dot_dimension_numbers<[1], [0], [0], [1], [0, 0, 1, 1], [], []>, transpose_lhs_hint = false} : vector<2000x128xf32>, vector<128x128xf32>, vector<2000x128xf32> -> vector<2000x128xf32>
    %mul3A_35 = vector.broadcast %rsqrt3A : vector<2000x1xf32> to vector<2000x128xf32>
    %mul3A_36 = arith.mulf %dot_general3A_34, %mul3A_35 : vector<2000x128xf32>
    %swap3A = arith.constant 0 : index
    %swap3A_37 = arith.constant 0 : index
    %swap3A_38 = vector.load %arg5[%swap3A, %swap3A_37] : memref<2000x128xf32, #tpu.memory_space<vmem>>, vector<2000x128xf32>
    tpu.vector_store %arg5[%swap3A, %swap3A_37], %mul3A_36 {strides = array<i32>} : memref<2000x128xf32, #tpu.memory_space<vmem>>, vector<2000x128xf32>,
    return
  }
  func.func @transform_0(%arg0: i32) -> (i32, i32, i32) {
    %c0_i32 = arith.constant 0 : i32
    %c0_i32_0 = arith.constant 0 : i32
    %c0_i32_1 = arith.constant 0 : i32
    return %c0_i32, %arg0, %c0_i32_0 : i32, i32, i32
  }
  func.func @transform_1(%arg0: i32) -> (i32, i32, i32) {
    %c0_i32 = arith.constant 0 : i32
    %c0_i32_0 = arith.constant 0 : i32
    %c0_i32_1 = arith.constant 0 : i32
    return %c0_i32, %arg0, %c0_i32_0 : i32, i32, i32
  }
  func.func @transform_2(%arg0: i32) -> (i32, i32) {
    %c0_i32 = arith.constant 0 : i32
    %c0_i32_0 = arith.constant 0 : i32
    %c0_i32_1 = arith.constant 0 : i32
    return %c0_i32, %c0_i32_0 : i32, i32
  }
  func.func @transform_3(%arg0: i32) -> (i32, i32) {
    %c0_i32 = arith.constant 0 : i32
    %c0_i32_0 = arith.constant 0 : i32
    %c0_i32_1 = arith.constant 0 : i32
    return %c0_i32, %c0_i32_0 : i32, i32
  }
  func.func @transform_4(%arg0: i32) -> (i32, i32) {
    %c0_i32 = arith.constant 0 : i32
    %c0_i32_0 = arith.constant 0 : i32
    return %arg0, %c0_i32 : i32, i32
  }
}

module attributes {stable_mosaic.version = 14 : i64} {
  func.func @body(%arg0: i32, %arg1: memref<2x2000x128xf32, #tpu.memory_space<vmem>>, %arg2: memref<2x2000x128xf32, #tpu.memory_space<vmem>>, %arg3: memref<1x128xf32, #tpu.memory_space<vmem>>, %arg4: memref<2000x128xf32, #tpu.memory_space<vmem>>) attributes {dimension_semantics = [#tpu.dimension_semantics<arbitrary>], iteration_bounds = array<i64: 5>, scalar_prefetch = 0 : i64, scratch_operands = 0 : i64, tpu.core_type = #tpu.core_type<tc>, window_params = [{transform_indices = @transform_0, window_bounds = array<i64: 2, 2000, 128>}, {transform_indices = @transform_1, window_bounds = array<i64: 2, 2000, 128>}, {pipeline_mode = #tpu.pipeline_mode<synchronous>, transform_indices = @transform_2, window_bounds = array<i64: 1, 128>}, {transform_indices = @transform_3, window_bounds = array<i64: 2000, 128>}]} {
    %get3A = arith.constant 0 : index
    %get3A_0 = arith.constant 0 : index
    %get3A_1 = arith.constant 0 : index
    %get3A_2 = vector.load %arg2[%get3A, %get3A_0, %get3A_1] : memref<2x2000x128xf32, #tpu.memory_space<vmem>>, vector<1x2000x1xf32>
    %get3A_3 = vector.shape_cast %get3A_2 : vector<1x2000x1xf32> to vector<2000x1xf32>
    %get3A_4 = arith.constant 1 : index
    %get3A_5 = arith.constant 0 : index
    %get3A_6 = arith.constant 0 : index
    %get3A_7 = vector.load %arg2[%get3A_4, %get3A_5, %get3A_6] : memref<2x2000x128xf32, #tpu.memory_space<vmem>>, vector<1x2000x1xf32>
    %get3A_8 = vector.shape_cast %get3A_7 : vector<1x2000x1xf32> to vector<2000x1xf32>
    %add3A = arith.addf %get3A_3, %get3A_8 : vector<2000x1xf32>
    %add3A_9 = arith.constant 1.000000e+00 : f32
    %add3A_10 = vector.broadcast %add3A_9 : f32 to vector<2000x1xf32>
    %add3A_11 = arith.addf %add3A, %add3A_10 : vector<2000x1xf32>
    %rsqrt3A = math.rsqrt %add3A_11 : vector<2000x1xf32>
    %get3A_12 = arith.constant 0 : index
    %get3A_13 = arith.constant 0 : index
    %get3A_14 = arith.constant 0 : index
    %get3A_15 = vector.load %arg1[%get3A_12, %get3A_13, %get3A_14] : memref<2x2000x128xf32, #tpu.memory_space<vmem>>, vector<1x2000x128xf32>
    %get3A_16 = vector.shape_cast %get3A_15 : vector<1x2000x128xf32> to vector<2000x128xf32>
    %get3A_17 = arith.constant 1 : index
    %get3A_18 = arith.constant 0 : index
    %get3A_19 = arith.constant 0 : index
    %get3A_20 = vector.load %arg1[%get3A_17, %get3A_18, %get3A_19] : memref<2x2000x128xf32, #tpu.memory_space<vmem>>, vector<1x2000x128xf32>
    %get3A_21 = vector.shape_cast %get3A_20 : vector<1x2000x128xf32> to vector<2000x128xf32>
    %add3A_22 = arith.addf %get3A_16, %get3A_21 : vector<2000x128xf32>
    %mul3A = vector.broadcast %rsqrt3A : vector<2000x1xf32> to vector<2000x128xf32>
    %mul3A_23 = arith.mulf %add3A_22, %mul3A : vector<2000x128xf32>
    %get3A_24 = arith.constant 0 : index
    %get3A_25 = arith.constant 0 : index
    %get3A_26 = vector.load %arg3[%get3A_24, %get3A_25] : memref<1x128xf32, #tpu.memory_space<vmem>>, vector<1x128xf32>
    %add3A_27 = vector.broadcast %get3A_26 : vector<1x128xf32> to vector<2000x128xf32>
    %add3A_28 = arith.addf %mul3A_23, %add3A_27 : vector<2000x128xf32>
    %swap3A = arith.constant 0 : index
    %swap3A_29 = arith.constant 0 : index
    %swap3A_30 = vector.load %arg4[%swap3A, %swap3A_29] : memref<2000x128xf32, #tpu.memory_space<vmem>>, vector<2000x128xf32>
    tpu.vector_store %arg4[%swap3A, %swap3A_29], %add3A_28 {strides = array<i32>} : memref<2000x128xf32, #tpu.memory_space<vmem>>, vector<2000x128xf32>,
    return
  }
  func.func @transform_0(%arg0: i32) -> (i32, i32, i32) {
    %c0_i32 = arith.constant 0 : i32
    %c0_i32_0 = arith.constant 0 : i32
    %c0_i32_1 = arith.constant 0 : i32
    return %c0_i32, %arg0, %c0_i32_0 : i32, i32, i32
  }
  func.func @transform_1(%arg0: i32) -> (i32, i32, i32) {
    %c0_i32 = arith.constant 0 : i32
    %c0_i32_0 = arith.constant 0 : i32
    %c0_i32_1 = arith.constant 0 : i32
    return %c0_i32, %arg0, %c0_i32_0 : i32, i32, i32
  }
  func.func @transform_2(%arg0: i32) -> (i32, i32) {
    %c0_i32 = arith.constant 0 : i32
    %c0_i32_0 = arith.constant 0 : i32
    %c0_i32_1 = arith.constant 0 : i32
    return %c0_i32, %c0_i32_0 : i32, i32
  }
  func.func @transform_3(%arg0: i32) -> (i32, i32) {
    %c0_i32 = arith.constant 0 : i32
    %c0_i32_0 = arith.constant 0 : i32
    return %arg0, %c0_i32 : i32, i32
  }
}

</mosaic_0001>

<sc_bundles>
// kernel: kernel.12.cloned.1.call-start
scs
__scs_entry_jumppad:
0x0: {  	(pc) =	sbr.rel $0x88, $3  }
0x1: {  	(tag) =	ssettag $0x0;
	lr =	simm.s32 $0x1  }
0x2: {  	[smem:$0x3F9B] =	sst lr;
	_ =	strace $0xD0000000  }
0x3: {  	_ = 	snop  }
0x4: {  	_ = 	snop  }
0x5: {  	_ = 	snop  }
0x6: {  	_ = 	snop  }
0x7: {  	_ = 	snop  }
__scs_overlays_trampoline_lowered:
0x8: {  	[smem:$0x3FAA] =	sst s0  }
0x9: {  	[smem:$0x3FAB] =	sst s1  }
0xa: {  	[smem:$0x3FAC] =	sst s2  }
0xb: {  	[smem:$0x3FAD] =	sst s3  }
0xc: {  	[smem:$0x3FAE] =	sst s4  }
0xd: {  	[smem:$0x3FAF] =	sst s5  }
0xe: {  	[smem:$0x3FB0] =	sst s6  }
0xf: {  	[smem:$0x3FB1] =	sst s7  }
0x10: {  	[smem:$0x3FB2] =	sst s8  }
0x11: {  	[smem:$0x3FB3] =	sst s9;
	s0 =	simm.s32 @!p0 $0x0  }
0x12: {  	s1 =	sld [smem:$0x3F99];
	s0 =	simm.s32 @p0 $0x1  }
0x13: {  	[smem:$0x3FB4] =	sst s0;
	s0 =	simm.s32 @!p1 $0x0  }
0x14: {  	s2 =	sld [smem:$0x3F98];
	s0 =	simm.s32 @p1 $0x1  }
0x15: {  	[smem:$0x3FB5] =	sst s0;
	s0 =	simm.s32 @!p2 $0x0  }
0x16: {  	s3 =	sld [smem:$0x3FDB];
	s0 =	simm.s32 @p2 $0x1  }
0x17: {  	s4 =	simm.s32 $0x1BF5;
	[smem:$0x3FB7] =	sst s0  }
0x18: {  	s0 =	sld [smem:$0x3F9A];
	_ =	swait.ge [sflag:s4], $0x0  }
0x19: {  	s7 =	sld [smem:$0x3F9B]  }
0x1a: {  	s8 =	sadd.s32 $0xFFFFE003, lr  }
0x1b: {  	s9 =	sadd.s32 $0xFFFFFEF7, lr;
	s5 =	simm.s32 $0xFFFFFFFF;
	p2 =	slt.u32 s8, $0xFFFFF086  }
0x1c: {  	p1 =	slt.u32 s9, $0xF7A;
	s5 =	simm.s32 @!p2 $0x0  }
0x1d: {  	s5 =	simm.s32 @p1 $0x1;
	p0 =	seq.s32 s7, s2  }
0x1e: {  	s7 =	smul.u32 @!p0 $0xF7A, s2;
	p2 =	seq.s32 @!p0 s5, $0x0  }
0x1f: {  	s9 =	smul.u32 $0xF7A, s1;
	s8 =	simm.s32 @!p0 $0x1BF5;
	p2 =	por !p2, p0  }
0x20: {  	[sflag:s8] =	ssyncset.s32 @!p0 $0xFFFFF086;
	s6 =	sadd.s32 @!p0 s3, s7;
	s7 =	simm.s32 @!p0 $0x108  }
0x21: {  	s3 =	sadd.s32 s3, s9;
	s6 =	sadd.s32 @!p0 $0x88, s6;
	s7 =	simm.s32 @p2 $0x1082  }
0x22: {  	[simem:s7], [sflag:s8] =	dma.local @!p0 [hbm:s6], $0xF7A  }
0x23: {  	s9 =	sor.u32 $0xD0000000, s2;
	s6 =	simm.s32 $0x108;
	_ =	swait.ge @!p0 [sflag:s8], $0x0  }
0x24: {  	s3 =	sadd.s32 $0x88, s3;
	s6 =	simm.s32 @!p1 $0x1082;
	[sflag:s4] =	ssyncset.s32 $0xFFFFF086  }
0x25: {  	[simem:s6], [sflag:s4] =	dma.local [hbm:s3], $0xF7A  }
0x26: {  	[smem:$0x3F9B] =	sst s1;
	(tag) =	ssettag s2;
	_ =	strace s9  }
0x27: {  	s1 =	sld [smem:$0x3FAB]  }
0x28: {  	s2 =	sld [smem:$0x3FAC]  }
0x29: {  	s4 =	sld [smem:$0x3FAE]  }
0x2a: {  	p0 =	seq.s32 s5, $0x0;
	s5 =	sld [smem:$0x3FAF]  }
0x2b: {  	s6 =	sld [smem:$0x3FB0]  }
0x2c: {  	s7 =	sld [smem:$0x3FB1]  }
0x2d: {  	s3 =	simm.s32 $0x108;
	s8 =	sld [smem:$0x3FB2]  }
0x2e: {  	s3 =	simm.s32 @!p0 $0x1082;
	s9 =	sld [smem:$0x3FB3]  }
0x2f: {  	lr =	sadd.s32 s0, s3;
	s0 =	sld [smem:$0x3FAA]  }
0x30: {  	s3 =	sld [smem:$0x3FAD]  }
0x31: {  	[smem:$0x3FB6] =	sst s10  }
0x32: {  	s10 =	sld [smem:$0x3FB4];
	_ =	sdelay $0x3  }
0x33: {  	p0 =	seq.s32 s10, $0x1;
	s10 =	sld [smem:$0x3FB6];
	_ =	sdelay $0x3  }
0x34: {  	[smem:$0x3FB6] =	sst s10  }
0x35: {  	s10 =	sld [smem:$0x3FB5];
	_ =	sdelay $0x3  }
0x36: {  	p1 =	seq.s32 s10, $0x1;
	s10 =	sld [smem:$0x3FB6];
	_ =	sdelay $0x3  }
0x37: {  	[smem:$0x3FB6] =	sst s10  }
0x38: {  	s10 =	sld [smem:$0x3FB7]  }
0x39: {  	_ = 	snop;
	(pc) =	sbr.ind lr, $3  }
0x3a: {  	_ = 	snop  }
0x3b: {  	_ = 	snop  }
0x3c: {  	p2 =	seq.s32 s10, $0x1;
	s10 =	sld [smem:$0x3FB6]  }
0x3d: {  	_ =	shalt  }
0x3e: {  	_ =	shalt  }
0x3f: {  	_ =	shalt  }
0x40: {  	_ =	shalt  }
0x41: {  	_ =	shalt  }
0x42: {  	_ =	shalt  }
0x43: {  	_ =	shalt  }
0x44: {  	_ =	shalt  }
0x45: {  	_ =	shalt  }
0x46: {  	_ =	shalt  }
0x47: {  	_ =	shalt  }
0x48: {  	_ =	shalt  }
0x49: {  	_ =	shalt  }
0x4a: {  	_ =	shalt  }
0x4b: {  	_ =	shalt  }
0x4c: {  	_ =	shalt  }
0x4d: {  	_ =	shalt  }
0x4e: {  	_ =	shalt  }
0x4f: {  	_ =	shalt  }
0x50: {  	_ =	shalt  }
0x51: {  	_ =	shalt  }
0x52: {  	_ =	shalt  }
0x53: {  	_ =	shalt  }
0x54: {  	_ =	shalt  }
0x55: {  	_ =	shalt  }
0x56: {  	_ =	shalt  }
0x57: {  	_ =	shalt  }
0x58: {  	_ =	shalt  }
0x59: {  	_ =	shalt  }
0x5a: {  	_ =	shalt  }
0x5b: {  	_ =	shalt  }
0x5c: {  	_ =	shalt  }
0x5d: {  	_ =	shalt  }
0x5e: {  	_ =	shalt  }
0x5f: {  	_ =	shalt  }
0x60: {  	_ =	shalt  }
0x61: {  	_ =	shalt  }
0x62: {  	_ =	shalt  }
0x63: {  	_ =	shalt  }
0x64: {  	_ =	shalt  }
0x65: {  	_ =	shalt  }
0x66: {  	_ =	shalt  }
0x67: {  	_ =	shalt  }
0x68: {  	_ =	shalt  }
0x69: {  	_ =	shalt  }
0x6a: {  	_ =	shalt  }
0x6b: {  	_ =	shalt  }
0x6c: {  	_ =	shalt  }
0x6d: {  	_ =	shalt  }
0x6e: {  	_ =	shalt  }
0x6f: {  	_ =	shalt  }
0x70: {  	_ =	shalt  }
0x71: {  	_ =	shalt  }
0x72: {  	_ =	shalt  }
0x73: {  	_ =	shalt  }
0x74: {  	_ =	shalt  }
0x75: {  	_ =	shalt  }
0x76: {  	_ =	shalt  }
0x77: {  	_ =	shalt  }
0x78: {  	_ =	shalt  }
0x79: {  	_ =	shalt  }
0x7a: {  	_ =	shalt  }
0x7b: {  	_ =	shalt  }
0x7c: {  	_ =	shalt  }
0x7d: {  	_ =	shalt  }
0x7e: {  	_ =	shalt  }
0x7f: {  	_ =	shalt  }
0x80: {  	_ =	shalt  }
0x81: {  	_ =	shalt  }
0x82: {  	_ =	shalt  }
0x83: {  	_ =	shalt  }
0x84: {  	_ =	shalt  }
0x85: {  	_ =	shalt  }
0x86: {  	_ =	shalt  }
0x87: {  	_ =	shalt  }
.Lfunc_end0:
.L_simem_size_0:
called_computation.1_lowered:
.L_overlay_start_0:
0x88: {  	s2 =	sld [smem:$0x3FD9]  }
0x89: {  	s3 =	sld [smem:$0x3FFE];
	_ =	sdelay $0x1  }
0x8a: {  	s1 =	srdreg.scid  }
0x8b: {  	s0 =	sand.u32 $0x1, s1  }
0x8c: {  	s17 =	sshll.u32 s0, $0xA;
	s2 =	sadd.s32 s3, s2  }
0x8d: {  	s2 =	sadd.s32 s2, s17  }
0x8e: {  	[smem:$0x3FC2] =	sst s2  }
0x8f: {  	_ = 	snop  }
0x90: {  	s2 =	sld [smem:$0x3FD0];
	(tm) =	ssettm $0x1  }
0x91: {  	s18 =	sld [smem:$0x3FFB];
	_ =	sdelay $0x3  }
0x92: {  	_ =	strace s18  }
0x93: {  	s3 =	sld [smem:$0x3FFC];
	_ =	sdelay $0x3  }
0x94: {  	_ =	strace s3  }
0x95: {  	s3 =	sld [smem:$0x3FFD];
	_ =	sdelay $0x3  }
0x96: {  	_ =	strace s3  }
0x97: {  	_ =	strace $0x8FFFFFFF  }
0x98: {  	s19 =	sld [smem:$0x3FDB];
	_ =	sdelay $0x1  }
0x99: {  	s4 =	simm.s32 $_scs_section_size  }
0x9a: {  	s5 =	simm.s32 $_size__tile_overlayer_lowered;
	s6 =	simm.s32 $_tile_overlayer_lowered  }
0x9b: {  	s22 =	simm.s32 $0x1BFF;
	s21 =	sshll.u32 s6, $0x1;
	s3 =	sadd.s32 s4, s19  }
0x9c: {  	s7 =	simm.s32 $0x0;
	s20 =	sshll.u32 s5, $0x1;
	s5 =	sadd.s32 s21, s3  }
0x9d: {  	[timem:s7], [sflag:s22] =	dma.local [hbm:s5], s20  }
0x9e: {  	_ =	swait.ge [sflag:s22], s20  }
0x9f: {  	s4 =	ssub.s32 $0x0, s20;
	[sflag:s22] =	ssyncset.done $0x0  }
0xa0: {  	[sflag:s22] =	ssyncadd.s32 s4;
	_ =	sdelay $0x1  }
0xa1: {  	s23 =	simm.s32 $0x1B8B  }
0xa2: {  	_ =	swait.ge [sflag:s23], $0x1  }
0xa3: {  	[sflag:s23] =	ssyncset.done $0x0  }
0xa4: {  	s25 =	simm.s32 $0x1B8E;
	s24 =	sld [smem:$0x3FFE];
	[sflag:s23] =	ssyncadd.s32 $0xFFFFFFFF  }
0xa5: {  	s26 =	simm.s32 $execute0_lowered;
	[smem:$0x3FD2] =	sst s25  }
0xa6: {  	s5 =	sshll.u32 s26, $0x1;
	_ =	strace $0x80000049;
	[dreg:$0x1] =	wrdreg $0xFFFFFFFF  }
0xa7: {  	s28 =	simm.s32 $_size_execute0_lowered;
	s3 =	sadd.s32 s3, s5;
	[dreg:$0x0] =	wrdreg $0x0  }
0xa8: {  	s5 =	sshll.u32 s28, $0x1;
	[dreg:$0x2] =	wrdreg s3  }
0xa9: {  	[dreg:$0x3] =	wrdreg s5  }
0xaa: {  	[dreg:$0x4] =	wrdreg $0xC0  }
0xab: {  	_ =	task [dreg:s7], $0x5FFFF  }
0xac: {  	[dreg:$0x1] =	wrdreg $0xFFFFFFFF  }
0xad: {  	[dreg:$0x0] =	wrdreg $0x60  }
0xae: {  	[dreg:$0x2] =	wrdreg s24  }
0xaf: {  	[dreg:$0x3] =	wrdreg s2  }
0xb0: {  	[dreg:$0x4] =	wrdreg $0xAA000  }
0xb1: {  	[dreg:$0x5] =	wrdreg $0x9  }
0xb2: {  	_ =	task.clear_ibuf [dreg:s7], $0x6FFFF;
	_ =	strace $0x90000049  }
0xb3: {  	s29 =	simm.s32 $0x9;
	_ =	strace $0x8000004B  }
0xb4: {  	_ =	swait.ge [sflag:s29], $0x1  }
0xb5: {  	[sflag:s29] =	ssyncadd.s32 $0xFFFFFFFF  }
0xb6: {  	_ =	strace $0x9000004B  }
0xb7: {  	_ =	sfence  }
0xb8: {  	s30 =	sld [smem:$0x0];
	_ =	sdelay $0x2  }
0xb9: {  	s31 =	sshll.u32 s1, $0xD;
	s1 =	sshrl.u32 s1, $0x2  }
0xba: {  	s3 =	sand.u32 $0x4000, s31;
	s1 =	sadd.s32 s1, s30  }
0xbb: {  	s0 =	sor.u32 s3, s0;
	s1 =	sshll.u32 s1, $0x11  }
0xbc: {  	s0 =	sor.u32 s1, s0  }
0xbd: {  	s0 =	sadd.s32 $0x8F2B, s0  }
0xbe: {  	[sflag:s0] =	ssyncadd.remote.s32 $0x1  }
0xbf: {  	_ =	sfence.sel $0xFFFF  }
0xc0: {  	[dreg:$0x0] =	wrdreg $0xFFFFFFFF;
	(pc) =	sbr.abs _section_cstart, $3  }
0xc1: {  	[dreg:$0x1] =	wrdreg $0xFFFFFFFF  }
0xc2: {  	_ =	task.clear_ibuf [dreg:s7], $0x2FFFF;
	_ =	strace $0x9FFFFFFF  }
0xc3: {  	(tm) =	ssettm $0x7FFFFFFF  }
tec
execute0_lowered:
.L_overlay_start_1:
0x0: {  	(tag) =	ssettag $0x1  }
0x1: {  	s0 =	srdreg.scid;
	s1 =	rddreg [dreg:$0x0]  }
0x2: {  	s3 =	rddreg [dreg:$0x1];
	s9 =	stileid.u32  }
0x3: {  	s2 =	rddreg [dreg:$0x2];
	s6 =	simm.s32 $0x0;
	s21 =	simm.s32 $0x5  }
0x4: {  	s22 =	simm.s32 $0x80;
	s28 =	simm.s32 $0x1;
	s29 =	simm.s32 $0x2880  }
0x5: {  	s30 =	simm.s32 $0x2;
	s31 =	simm.s32 $0x2980;
	s0 =	sand.u32 $0x1, s0  }
0x6: {  	[smem:$0x7FF] =	sst s6;
	s7 =	smul.u32 $0x4E000, s9;
	s4 =	sshll.u32 s0, $0x4  }
0x7: {  	s23 =	smul.u32 $0x27100, s0;
	_ =	strace $0x8000004A;
	s8 =	ssub.s32 $0x2, s0  }
0x8: {  	p3 =	sne.s32 s0, $0x0;
	s4 =	sor.u32 s9, s4;
	s24 =	sshrl.u32 s8, $0x1  }
0x9: {  	s7 =	sshrl.u32 s7, $0x2;
	p1 =	seq.s32 @p3 s9, $0xF;
	p4 =	seq.s32 @!p3 s9, $0xF  }
0xa: {  	s5 =	smul.u32 $0x500, s4;
	s4 =	sadd.s32 $0x65600, s1;
	s13 =	sadd.s32 s23, s1  }
0xb: {  	s14 =	ssub.s32 s8, s24;
	s6 =	sadd.s32 s7, s2;
	s8 =	sadd.s32 $0x124800, s2  }
0xc: {  	p0 =	por !p1, !p3;
	p1 =	por p1, !p3;
	p2 =	por p4, p3  }
0xd: {  	p3 =	por !p4, p3;
	s23 =	simm.s32 $0x2800;
	s24 =	simm.s32 $0x2A00  }
0xe: {  	p4 =	seq.s32 s9, $0xF;
	s13 =	sadd.s32 $0x8C800, s13;
	s14 =	smax.u32 s14, $0x1  }
0xf: {  	s15 =	sshrl.u32 @!p0 s8, $0x3;
	s0 =	sshll.u32 @!p1 s9, $0x6;
	s17 =	sshrl.u32 @!p1 s6, $0x3  }
0x10: {  	s18 =	sshrl.u32 @!p3 s8, $0x3;
	s12 =	sadd.s32 s5, s1;
	s5 =	smul.u32 $0x2700, s9  }
0x11: {  	s20 =	sshrl.u32 @!p2 s6, $0x3;
	s1 =	sadd.s32 $0x89F00, s1;
	s16 =	sor.u32 @!p1 $0x1C05, s0  }
.Ltmp0:
0x12: {  	[dreg:$0x7] =	wrdreg s1;
	s25 =	sadd.s32 s3, s5;
	(pc) =	sbr.rel .LBB2_1-.Ltmp0, $4  }
0x13: {  	s0 =	sshll.u32 @!p2 s9, $0x6;
	s3 =	sadd.s32 $0x24900, s3;
	[dreg:$0x4] =	wrdreg s25  }
0x14: {  	s12 =	sadd.s32 $0x5B600, s12;
	s26 =	sadd.s32 s4, s5;
	[dreg:$0x5] =	wrdreg s3  }
0x15: {  	s19 =	sor.u32 @!p2 $0x1C05, s0;
	s1 =	simm.s32 $0x3;
	[dreg:$0x6] =	wrdreg s26  }
0x16: {  	s26 =	simm.s32 $0x6A00;
	s3 =	simm.s32 $0x4;
	s25 =	simm.s32 $0x0  }
.LBB2_6:
0x17: {  	_ =	swait.ge [sflag:s1], $0x4000  }
0x18: {  	[sflag:s1] =	ssyncset.done $0x0  }
0x19: {  	[sflag:s1] =	ssyncadd.s32 $0xFFFFC000  }
0x1a: {  	_ =	swait.ge [sflag:s3], $0x4000  }
0x1b: {  	[sflag:s3] =	ssyncset.done $0x0  }
0x1c: {  	s0 =	sadd.s32 @p4 $0x24900, s13;
	[sflag:s3] =	ssyncadd.s32 $0xFFFFC000  }
0x1d: {  	s7 =	sshrl.u32 @p4 s8, $0x3;
	s9 =	simm.s32 @p4 $0x1FC5;
	[bflag:$0x0] =	sbarrier.arrive $0xFFFF  }
0x1e: {  	[hbm:s0], [sflag:s9] =	dma.local @p4 [spmem:s7], $0x2800  }
0x1f: {  	s0 =	simm.s32 @p4 $0x5  }
0x20: {  	_ =	swait.ge @p4 [sflag:s0], $0x2800  }
0x21: {  	[sflag:s0] =	ssyncset.done @p4 $0x0  }
0x22: {  	s25 =	sadd.s32 $0x1, s25;
	[sflag:s0] =	ssyncadd.s32 @p4 $0xFFFFD800;
	s0 =	stileid.u32  }
0x23: {  	p5 =	sne.s32 s25, s14;
	s0 =	sshll.u32 @!p4 s0, $0x6  }
0x24: {  	s7 =	sadd.s32 @!p4 s5, s13;
	s9 =	sshrl.u32 @!p4 s6, $0x3;
	s0 =	sor.u32 @!p4 $0x1C05, s0  }
0x25: {  	[hbm:s7], [sflag:s0] =	dma.local @!p4 [spmem:s9], $0x2700  }
.Ltmp1:
0x26: {  	_ = 	snop;
	(pc) =	sbr.rel @!p5 .LBB2_7-.Ltmp1, $4  }
0x27: {  	s0 =	simm.s32 @!p4 $0x5  }
0x28: {  	_ =	swait.ge @!p4 [sflag:s0], $0x2700  }
0x29: {  	[sflag:s0] =	ssyncset.done @!p4 $0x0  }
0x2a: {  	[sflag:s0] =	ssyncadd.s32 @!p4 $0xFFFFD900  }
.LBB2_1:
0x2b: {  	s0 =	simm.s32 @!p0 $0x1FC5;
	s7 =	rddreg [dreg:$0x5]  }
0x2c: {  	[spmem:s15], [sflag:s0] =	dma.local @!p0 [hbm:s7], $0x2800  }
0x2d: {  	s0 =	simm.s32 @!p0 $0x5  }
0x2e: {  	_ =	swait.ge @!p0 [sflag:s0], $0x2800  }
0x2f: {  	[sflag:s0] =	ssyncset.done @!p0 $0x0  }
0x30: {  	[sflag:s0] =	ssyncadd.s32 @!p0 $0xFFFFD800;
	s0 =	rddreg [dreg:$0x4]  }
0x31: {  	[spmem:s17], [sflag:s16] =	dma.local @!p1 [hbm:s0], $0x2700  }
0x32: {  	s0 =	simm.s32 @!p1 $0x5  }
0x33: {  	_ =	swait.ge @!p1 [sflag:s0], $0x2700  }
0x34: {  	[sflag:s0] =	ssyncset.done @!p1 $0x0  }
0x35: {  	s7 =	rddreg [dreg:$0x7];
	[sflag:s0] =	ssyncadd.s32 @!p1 $0xFFFFD900;
	s0 =	simm.s32 @!p3 $0x1FC5  }
0x36: {  	[spmem:s18], [sflag:s0] =	dma.local @!p3 [hbm:s7], $0x2800  }
0x37: {  	s0 =	simm.s32 @!p3 $0x5  }
0x38: {  	_ =	swait.ge @!p3 [sflag:s0], $0x2800  }
0x39: {  	[sflag:s0] =	ssyncset.done @!p3 $0x0  }
0x3a: {  	[sflag:s0] =	ssyncadd.s32 @!p3 $0xFFFFD800;
	s0 =	rddreg [dreg:$0x6]  }
0x3b: {  	[spmem:s20], [sflag:s19] =	dma.local @!p2 [hbm:s0], $0x2700  }
0x3c: {  	s0 =	simm.s32 @!p2 $0x5  }
0x3d: {  	_ =	swait.ge @!p2 [sflag:s0], $0x2700  }
0x3e: {  	[sflag:s0] =	ssyncset.done @!p2 $0x0  }
0x3f: {  	s10 =	simm.s32 $0x0;
	[sflag:s0] =	ssyncadd.s32 @!p2 $0xFFFFD900  }
0x40: {  	[tilespmem:s10], [sflag:$0x5] =	stream.linear.gather [hbm4b:s12+s10], $0x2780, $0x38;
	[tilespmem:$0x1E680] =	vst v63  }
0x41: {  	_ =	swait.ge [sflag:s21], $0x2780  }
0x42: {  	[sflag:s21] =	ssyncset.done $0x0  }
0x43: {  	[sflag:s21] =	ssyncadd.s32 $0xFFFFD880  }
0x44: {  	[bflag:$0x0] =	sbarrier.arrive $0xFFFF  }
0x45: {  	v0 =	vld [tilespmem:$0x0];
	_ =	sdelay $0x1  }
0x46: {  	v1 =	vld [tilespmem:$0x10];
	_ =	sdelay $0x1  }
0x47: {  	v2 =	vld [tilespmem:$0x20]  }
0x48: {  	v3 =	vand.u32 $0x3FFF, v0  }
0x49: {  	v22 =	vld [tilespmem:$0x30];
	v0 =	vshrl.u32 v0, $0xE;
	[tilespmem:$0x2800] =	vst v3  }
0x4a: {  	v23 =	vand.u32 $0x3FFF, v1;
	[tilespmem:$0x2880] =	vst v0  }
0x4b: {  	v25 =	vld [tilespmem:$0x40];
	v24 =	vshrl.u32 v1, $0xE;
	[tilespmem:$0x2810] =	vst v23  }
0x4c: {  	v26 =	vand.u32 $0x3FFF, v2;
	[tilespmem:$0x2890] =	vst v24  }
0x4d: {  	v28 =	vld [tilespmem:$0x50];
	v27 =	vshrl.u32 v2, $0xE;
	[tilespmem:$0x2820] =	vst v26  }
0x4e: {  	v29 =	vand.u32 $0x3FFF, v22;
	[tilespmem:$0x28A0] =	vst v27  }
0x4f: {  	v31 =	vld [tilespmem:$0x60];
	v30 =	vshrl.u32 v22, $0xE;
	[tilespmem:$0x2830] =	vst v29  }
0x50: {  	v32 =	vand.u32 $0x3FFF, v25;
	[tilespmem:$0x28B0] =	vst v30  }
0x51: {  	v34 =	vld [tilespmem:$0x70];
	v33 =	vshrl.u32 v25, $0xE;
	[tilespmem:$0x2840] =	vst v32  }
0x52: {  	v35 =	vand.u32 $0x3FFF, v28;
	[tilespmem:$0x28C0] =	vst v33  }
0x53: {  	v36 =	vshrl.u32 v28, $0xE;
	[tilespmem:$0x2850] =	vst v35  }
0x54: {  	v37 =	vand.u32 $0x3FFF, v31;
	[tilespmem:$0x28D0] =	vst v36  }
0x55: {  	v38 =	vshrl.u32 v31, $0xE;
	[tilespmem:$0x2860] =	vst v37  }
0x56: {  	v39 =	vand.u32 $0x3FFF, v34;
	[tilespmem:$0x28E0] =	vst v38  }
0x57: {  	v40 =	vshrl.u32 v34, $0xE;
	[tilespmem:$0x2870] =	vst v39  }
0x58: {  	[tilespmem:$0x28F0] =	vst v40  }
0x59: {  	[tilespmem:s24], [sflag:$0x1] =	stream.indirect.gather [hbm4b:s4+s22], $0x80, s23, s22, $0xb8;
	[tilespmem:$0x1E680] =	vst v63  }
0x5a: {  	v41 =	vld [tilespmem:$0x80];
	_ =	sdelay $0x1  }
0x5b: {  	v42 =	vld [tilespmem:$0x90];
	_ =	sdelay $0x1  }
0x5c: {  	v43 =	vld [tilespmem:$0xA0]  }
0x5d: {  	v44 =	vand.u32 $0x3FFF, v41  }
0x5e: {  	v45 =	vld [tilespmem:$0xB0];
	v0 =	vshrl.u32 v41, $0xE;
	[tilespmem:$0x2900] =	vst v44  }
0x5f: {  	v46 =	vand.u32 $0x3FFF, v42;
	[tilespmem:$0x2980] =	vst v0  }
0x60: {  	v48 =	vld [tilespmem:$0xC0];
	v47 =	vshrl.u32 v42, $0xE;
	[tilespmem:$0x2910] =	vst v46  }
0x61: {  	v49 =	vand.u32 $0x3FFF, v43;
	[tilespmem:$0x2990] =	vst v47  }
0x62: {  	v51 =	vld [tilespmem:$0xD0];
	v50 =	vshrl.u32 v43, $0xE;
	[tilespmem:$0x2920] =	vst v49  }
0x63: {  	v52 =	vand.u32 $0x3FFF, v45;
	[tilespmem:$0x29A0] =	vst v50  }
0x64: {  	v54 =	vld [tilespmem:$0xE0];
	v53 =	vshrl.u32 v45, $0xE;
	[tilespmem:$0x2930] =	vst v52  }
0x65: {  	v55 =	vand.u32 $0x3FFF, v48;
	[tilespmem:$0x29B0] =	vst v53  }
0x66: {  	v57 =	vld [tilespmem:$0xF0];
	v56 =	vshrl.u32 v48, $0xE;
	[tilespmem:$0x2940] =	vst v55  }
0x67: {  	v58 =	vand.u32 $0x3FFF, v51;
	[tilespmem:$0x29C0] =	vst v56  }
0x68: {  	v59 =	vshrl.u32 v51, $0xE;
	[tilespmem:$0x2950] =	vst v58  }
0x69: {  	v60 =	vand.u32 $0x3FFF, v54;
	[tilespmem:$0x29D0] =	vst v59  }
.Ltmp2:
0x6a: {  	v61 =	vshrl.u32 v54, $0xE;
	[tilespmem:$0x2960] =	vst v60;
	(pc) =	sbr.rel .LBB2_2-.Ltmp2, $4  }
0x6b: {  	v62 =	vand.u32 $0x3FFF, v57;
	[tilespmem:$0x29E0] =	vst v61  }
0x6c: {  	v63 =	vshrl.u32 v57, $0xE;
	[tilespmem:$0x2970] =	vst v62  }
0x6d: {  	s11 =	simm.s32 $0x2900;
	s7 =	simm.s32 $0x0;
	s0 =	simm.s32 $0x1F0;
	[tilespmem:$0x29F0] =	vst v63  }
0x6e: {  	[tilespmem:s26], [sflag:$0x2] =	stream.indirect.gather [hbm4b:s4+s22], $0x80, s11, s22, $0xb8;
	[tilespmem:$0x1E680] =	vst v63  }
.LBB2_3:
0x6f: {  	_ =	swait.ge [sflag:s30], $0x4000  }
0x70: {  	[sflag:s30] =	ssyncset.done $0x0  }
0x71: {  	[sflag:s30] =	ssyncadd.s32 $0xFFFFC000  }
0x72: {  	[spmem:s2] =	stream.indirect.scatter.add.f32 [tilespmem:s26], [sflag:$0x4], $0x80, s31, s22, $0xb8;
	[tilespmem:$0x1E680] =	vst v63  }
.LBB2_5:
0x73: {  	_ =	swait.ge [sflag:s1], $0x4000  }
0x74: {  	[sflag:s1] =	ssyncset.done $0x0  }
0x75: {  	[sflag:s1] =	ssyncadd.s32 $0xFFFFC000  }
0x76: {  	v0 =	vld [tilespmem:s0+$0xFFFFFF10];
	_ =	sdelay $0x4  }
0x77: {  	v1 =	vand.u32 $0x3FFF, v0  }
0x78: {  	v0 =	vshrl.u32 v0, $0xE;
	[tilespmem:$0x2800] =	vst v1  }
0x79: {  	[tilespmem:$0x2880] =	vst v0  }
0x7a: {  	v0 =	vld [tilespmem:s0+$0xFFFFFF20];
	_ =	sdelay $0x4  }
0x7b: {  	v57 =	vand.u32 $0x3FFF, v0  }
0x7c: {  	v0 =	vshrl.u32 v0, $0xE;
	[tilespmem:$0x2810] =	vst v57  }
0x7d: {  	[tilespmem:$0x2890] =	vst v0  }
0x7e: {  	v0 =	vld [tilespmem:s0+$0xFFFFFF30];
	_ =	sdelay $0x4  }
0x7f: {  	v58 =	vand.u32 $0x3FFF, v0  }
0x80: {  	v0 =	vshrl.u32 v0, $0xE;
	[tilespmem:$0x2820] =	vst v58  }
0x81: {  	[tilespmem:$0x28A0] =	vst v0  }
0x82: {  	v0 =	vld [tilespmem:s0+$0xFFFFFF40];
	_ =	sdelay $0x4  }
0x83: {  	v59 =	vand.u32 $0x3FFF, v0  }
0x84: {  	v0 =	vshrl.u32 v0, $0xE;
	[tilespmem:$0x2830] =	vst v59  }
0x85: {  	[tilespmem:$0x28B0] =	vst v0  }
0x86: {  	v0 =	vld [tilespmem:s0+$0xFFFFFF50];
	_ =	sdelay $0x4  }
0x87: {  	v60 =	vand.u32 $0x3FFF, v0  }
0x88: {  	v0 =	vshrl.u32 v0, $0xE;
	[tilespmem:$0x2840] =	vst v60  }
0x89: {  	[tilespmem:$0x28C0] =	vst v0  }
0x8a: {  	v0 =	vld [tilespmem:s0+$0xFFFFFF60];
	_ =	sdelay $0x4  }
0x8b: {  	v61 =	vand.u32 $0x3FFF, v0  }
0x8c: {  	v0 =	vshrl.u32 v0, $0xE;
	[tilespmem:$0x2850] =	vst v61  }
0x8d: {  	[tilespmem:$0x28D0] =	vst v0  }
0x8e: {  	v0 =	vld [tilespmem:s0+$0xFFFFFF70];
	_ =	sdelay $0x4  }
0x8f: {  	v62 =	vand.u32 $0x3FFF, v0  }
0x90: {  	v0 =	vshrl.u32 v0, $0xE;
	[tilespmem:$0x2860] =	vst v62  }
0x91: {  	[tilespmem:$0x28E0] =	vst v0  }
0x92: {  	v0 =	vld [tilespmem:s0+$0xFFFFFF80];
	_ =	sdelay $0x4  }
0x93: {  	v63 =	vand.u32 $0x3FFF, v0  }
0x94: {  	p5 =	sgt.u32 s7, $0x25;
	v0 =	vshrl.u32 v0, $0xE;
	[tilespmem:$0x2870] =	vst v63  }
0x95: {  	s9 =	simm.s32 @!p5 $0x4;
	[tilespmem:$0x28F0] =	vst v0  }
0x96: {  	[tilespmem:s24], [sflag:$0x1] =	stream.indirect.gather [hbm4b:s4+s22], $0x80, s23, s22, $0xb8;
	[tilespmem:$0x1E680] =	vst v63  }
0x97: {  	_ =	swait.ge @!p5 [sflag:s9], $0x4000  }
0x98: {  	[sflag:s9] =	ssyncset.done @!p5 $0x0  }
0x99: {  	[sflag:s9] =	ssyncadd.s32 @!p5 $0xFFFFC000  }
0x9a: {  	v0 =	vld @!p5 [tilespmem:s0+$0xFFFFFF90];
	_ =	sdelay $0x4  }
0x9b: {  	v1 =	vand.u32 @!p5 $0x3FFF, v0  }
0x9c: {  	v0 =	vshrl.u32 @!p5 v0, $0xE;
	[tilespmem:$0x2900] =	vst @!p5 v1  }
0x9d: {  	[tilespmem:$0x2980] =	vst @!p5 v0  }
0x9e: {  	v0 =	vld @!p5 [tilespmem:s0+$0xFFFFFFA0];
	_ =	sdelay $0x4  }
0x9f: {  	v1 =	vand.u32 @!p5 $0x3FFF, v0  }
0xa0: {  	v0 =	vshrl.u32 @!p5 v0, $0xE;
	[tilespmem:$0x2910] =	vst @!p5 v1  }
0xa1: {  	[tilespmem:$0x2990] =	vst @!p5 v0  }
0xa2: {  	v0 =	vld @!p5 [tilespmem:s0+$0xFFFFFFB0];
	_ =	sdelay $0x4  }
0xa3: {  	v1 =	vand.u32 @!p5 $0x3FFF, v0  }
0xa4: {  	v0 =	vshrl.u32 @!p5 v0, $0xE;
	[tilespmem:$0x2920] =	vst @!p5 v1  }
0xa5: {  	[tilespmem:$0x29A0] =	vst @!p5 v0  }
0xa6: {  	v0 =	vld @!p5 [tilespmem:s0+$0xFFFFFFC0];
	_ =	sdelay $0x4  }
0xa7: {  	v1 =	vand.u32 @!p5 $0x3FFF, v0  }
0xa8: {  	v0 =	vshrl.u32 @!p5 v0, $0xE;
	[tilespmem:$0x2930] =	vst @!p5 v1  }
0xa9: {  	[tilespmem:$0x29B0] =	vst @!p5 v0  }
0xaa: {  	v0 =	vld @!p5 [tilespmem:s0+$0xFFFFFFD0];
	_ =	sdelay $0x4  }
0xab: {  	v1 =	vand.u32 @!p5 $0x3FFF, v0  }
0xac: {  	v0 =	vshrl.u32 @!p5 v0, $0xE;
	[tilespmem:$0x2940] =	vst @!p5 v1  }
0xad: {  	[tilespmem:$0x29C0] =	vst @!p5 v0  }
0xae: {  	v0 =	vld @!p5 [tilespmem:s0+$0xFFFFFFE0];
	_ =	sdelay $0x4  }
0xaf: {  	v1 =	vand.u32 @!p5 $0x3FFF, v0  }
0xb0: {  	v0 =	vshrl.u32 @!p5 v0, $0xE;
	[tilespmem:$0x2950] =	vst @!p5 v1  }
0xb1: {  	[tilespmem:$0x29D0] =	vst @!p5 v0  }
0xb2: {  	v0 =	vld @!p5 [tilespmem:s0+$0xFFFFFFF0];
	_ =	sdelay $0x4  }
0xb3: {  	v1 =	vand.u32 @!p5 $0x3FFF, v0  }
0xb4: {  	v0 =	vshrl.u32 @!p5 v0, $0xE;
	[tilespmem:$0x2960] =	vst @!p5 v1  }
0xb5: {  	[tilespmem:$0x29E0] =	vst @!p5 v0  }
0xb6: {  	v0 =	vld @!p5 [tilespmem:s0+$0x0];
	_ =	sdelay $0x4  }
0xb7: {  	v1 =	vand.u32 @!p5 $0x3FFF, v0  }
0xb8: {  	s7 =	sadd.s32 $0x1, s7;
	v0 =	vshrl.u32 @!p5 v0, $0xE;
	[tilespmem:$0x2970] =	vst @!p5 v1  }
0xb9: {  	s10 =	simm.s32 @!p5 $0x2900;
	s11 =	simm.s32 @!p5 $0x6A00;
	s9 =	simm.s32 @!p5 $0x80;
	[tilespmem:$0x29F0] =	vst @!p5 v0  }
0xba: {  	[tilespmem:s11], [sflag:$0x2] =	stream.indirect.gather @!p5 [hbm4b:s4+s9], $0x80, s10, s9, $0xb8;
	[tilespmem:$0x1E680] =	vst v63  }
0xbb: {  	p5 =	sne.s32 s7, $0x28  }
.Ltmp3:
0xbc: {  	_ = 	snop;
	(pc) =	sbr.rel @!p5 .LBB2_6-.Ltmp3, $2  }
0xbd: {  	_ =	sdelay $0x2  }
0xbe: {  	s0 =	sadd.s32 $0x100, s0  }
.LBB2_2:
0xbf: {  	p5 =	sgt.u32 s7, $0x26  }
.Ltmp4:
0xc0: {  	_ = 	snop;
	(pc) =	sbr.rel @!p5 .LBB2_3-.Ltmp4, $4  }
0xc1: {  	_ =	swait.ge [sflag:s28], $0x4000  }
0xc2: {  	[sflag:s28] =	ssyncset.done $0x0  }
0xc3: {  	[sflag:s28] =	ssyncadd.s32 $0xFFFFC000  }
0xc4: {  	[spmem:s2] =	stream.indirect.scatter.add.f32 [tilespmem:s24], [sflag:$0x3], $0x80, s29, s22, $0xb8;
	[tilespmem:$0x1E680] =	vst v63  }
0xc5: {  	p5 =	seq.s32 s7, $0x27  }
.Ltmp5:
0xc6: {  	_ = 	snop;
	(pc) =	sbr.rel @!p5 .LBB2_5-.Ltmp5, $4  }
.Ltmp6:
0xc7: {  	_ = 	snop;
	(pc) =	sbr.rel @p5 .LBB2_6-.Ltmp6, $4  }
0xc8: {  	_ = 	snop  }
0xc9: {  	_ = 	snop  }
0xca: {  	_ = 	snop  }
0xcb: {  	_ = 	snop  }
.LBB2_7:
0xcc: {  	_ =	sfence.sel $0x180000  }
0xcd: {  	[bflag:$0x0] =	sbarrier.arrive $0xFFFF  }
0xce: {  	_ =	strace $0x9000004A  }
0xcf: {  	s0 =	stileid.u32;
	[bflag:$0x2] =	sbarrier.arrive $0xFFFF  }
0xd0: {  	p0 =	sne.s32 s0, $0x0;
	s0 =	rddreg [dreg:$0x3]  }
0xd1: {  	s0 =	sadd.s32 @!p0 $0x100000, s0  }
0xd2: {  	[sflag:s0] =	ssyncadd.tile.s32 @!p0 $0x1;
	_ =	shalt  }
.Lfunc_end2:
_tile_overlayer_lowered:
.L_overlay_start_2:
0xd3: {  	(tag) =	ssettag $0x2  }
0xd4: {  	s0 =	rddreg [dreg:$0x0];
	s2 =	stileid.u32  }
0xd5: {  	s1 =	rddreg [dreg:$0x1];
	p0 =	sne.s32 s2, $0x0  }
0xd6: {  	s3 =	rddreg [dreg:$0x2];
	[bflag:$0x3] =	sbarrier.arrive $0xFFFF;
	s2 =	simm.s32 @!p0 $0x1C05  }
0xd7: {  	[timem:s3], [sflag:s2] =	dma.local @!p0 [hbm:s0], s1  }
0xd8: {  	s0 =	simm.s32 @!p0 $0x5  }
0xd9: {  	_ =	swait.ge @!p0 [sflag:s0], s1  }
0xda: {  	s1 =	ssub.s32 @!p0 $0x0, s1;
	[sflag:s0] =	ssyncset.done @!p0 $0x0  }
0xdb: {  	[sflag:s0] =	ssyncadd.s32 @!p0 s1  }
0xdc: {  	[bflag:$0x3] =	sbarrier.arrive $0xFFFF  }
0xdd: {  	_ =	shalt  }

// kernel: kernel.15.cloned.1.call-start
scs
__scs_entry_jumppad:
0x0: {  	(pc) =	sbr.rel $0x88, $3  }
0x1: {  	(tag) =	ssettag $0x0;
	lr =	simm.s32 $0x1  }
0x2: {  	[smem:$0x3F9B] =	sst lr;
	_ =	strace $0xD0000000  }
0x3: {  	_ = 	snop  }
0x4: {  	_ = 	snop  }
0x5: {  	_ = 	snop  }
0x6: {  	_ = 	snop  }
0x7: {  	_ = 	snop  }
__scs_overlays_trampoline_lowered:
0x8: {  	[smem:$0x3FAA] =	sst s0  }
0x9: {  	[smem:$0x3FAB] =	sst s1  }
0xa: {  	[smem:$0x3FAC] =	sst s2  }
0xb: {  	[smem:$0x3FAD] =	sst s3  }
0xc: {  	[smem:$0x3FAE] =	sst s4  }
0xd: {  	[smem:$0x3FAF] =	sst s5  }
0xe: {  	[smem:$0x3FB0] =	sst s6  }
0xf: {  	[smem:$0x3FB1] =	sst s7  }
0x10: {  	[smem:$0x3FB2] =	sst s8  }
0x11: {  	[smem:$0x3FB3] =	sst s9;
	s0 =	simm.s32 @!p0 $0x0  }
0x12: {  	s1 =	sld [smem:$0x3F99];
	s0 =	simm.s32 @p0 $0x1  }
0x13: {  	[smem:$0x3FB4] =	sst s0;
	s0 =	simm.s32 @!p1 $0x0  }
0x14: {  	s2 =	sld [smem:$0x3F98];
	s0 =	simm.s32 @p1 $0x1  }
0x15: {  	[smem:$0x3FB5] =	sst s0;
	s0 =	simm.s32 @!p2 $0x0  }
0x16: {  	s3 =	sld [smem:$0x3FDB];
	s0 =	simm.s32 @p2 $0x1  }
0x17: {  	s4 =	simm.s32 $0x1BF5;
	[smem:$0x3FB7] =	sst s0  }
0x18: {  	s0 =	sld [smem:$0x3F9A];
	_ =	swait.ge [sflag:s4], $0x0  }
0x19: {  	s7 =	sld [smem:$0x3F9B]  }
0x1a: {  	s8 =	sadd.s32 $0xFFFFE003, lr  }
0x1b: {  	s9 =	sadd.s32 $0xFFFFFEF7, lr;
	s5 =	simm.s32 $0xFFFFFFFF;
	p2 =	slt.u32 s8, $0xFFFFF086  }
0x1c: {  	p1 =	slt.u32 s9, $0xF7A;
	s5 =	simm.s32 @!p2 $0x0  }
0x1d: {  	s5 =	simm.s32 @p1 $0x1;
	p0 =	seq.s32 s7, s2  }
0x1e: {  	s7 =	smul.u32 @!p0 $0xF7A, s2;
	p2 =	seq.s32 @!p0 s5, $0x0  }
0x1f: {  	s9 =	smul.u32 $0xF7A, s1;
	s8 =	simm.s32 @!p0 $0x1BF5;
	p2 =	por !p2, p0  }
0x20: {  	[sflag:s8] =	ssyncset.s32 @!p0 $0xFFFFF086;
	s6 =	sadd.s32 @!p0 s3, s7;
	s7 =	simm.s32 @!p0 $0x108  }
0x21: {  	s3 =	sadd.s32 s3, s9;
	s6 =	sadd.s32 @!p0 $0x88, s6;
	s7 =	simm.s32 @p2 $0x1082  }
0x22: {  	[simem:s7], [sflag:s8] =	dma.local @!p0 [hbm:s6], $0xF7A  }
0x23: {  	s9 =	sor.u32 $0xD0000000, s2;
	s6 =	simm.s32 $0x108;
	_ =	swait.ge @!p0 [sflag:s8], $0x0  }
0x24: {  	s3 =	sadd.s32 $0x88, s3;
	s6 =	simm.s32 @!p1 $0x1082;
	[sflag:s4] =	ssyncset.s32 $0xFFFFF086  }
0x25: {  	[simem:s6], [sflag:s4] =	dma.local [hbm:s3], $0xF7A  }
0x26: {  	[smem:$0x3F9B] =	sst s1;
	(tag) =	ssettag s2;
	_ =	strace s9  }
0x27: {  	s1 =	sld [smem:$0x3FAB]  }
0x28: {  	s2 =	sld [smem:$0x3FAC]  }
0x29: {  	s4 =	sld [smem:$0x3FAE]  }
0x2a: {  	p0 =	seq.s32 s5, $0x0;
	s5 =	sld [smem:$0x3FAF]  }
0x2b: {  	s6 =	sld [smem:$0x3FB0]  }
0x2c: {  	s7 =	sld [smem:$0x3FB1]  }
0x2d: {  	s3 =	simm.s32 $0x108;
	s8 =	sld [smem:$0x3FB2]  }
0x2e: {  	s3 =	simm.s32 @!p0 $0x1082;
	s9 =	sld [smem:$0x3FB3]  }
0x2f: {  	lr =	sadd.s32 s0, s3;
	s0 =	sld [smem:$0x3FAA]  }
0x30: {  	s3 =	sld [smem:$0x3FAD]  }
0x31: {  	[smem:$0x3FB6] =	sst s10  }
0x32: {  	s10 =	sld [smem:$0x3FB4];
	_ =	sdelay $0x3  }
0x33: {  	p0 =	seq.s32 s10, $0x1;
	s10 =	sld [smem:$0x3FB6];
	_ =	sdelay $0x3  }
0x34: {  	[smem:$0x3FB6] =	sst s10  }
0x35: {  	s10 =	sld [smem:$0x3FB5];
	_ =	sdelay $0x3  }
0x36: {  	p1 =	seq.s32 s10, $0x1;
	s10 =	sld [smem:$0x3FB6];
	_ =	sdelay $0x3  }
0x37: {  	[smem:$0x3FB6] =	sst s10  }
0x38: {  	s10 =	sld [smem:$0x3FB7]  }
0x39: {  	_ = 	snop;
	(pc) =	sbr.ind lr, $3  }
0x3a: {  	_ = 	snop  }
0x3b: {  	_ = 	snop  }
0x3c: {  	p2 =	seq.s32 s10, $0x1;
	s10 =	sld [smem:$0x3FB6]  }
0x3d: {  	_ =	shalt  }
0x3e: {  	_ =	shalt  }
0x3f: {  	_ =	shalt  }
0x40: {  	_ =	shalt  }
0x41: {  	_ =	shalt  }
0x42: {  	_ =	shalt  }
0x43: {  	_ =	shalt  }
0x44: {  	_ =	shalt  }
0x45: {  	_ =	shalt  }
0x46: {  	_ =	shalt  }
0x47: {  	_ =	shalt  }
0x48: {  	_ =	shalt  }
0x49: {  	_ =	shalt  }
0x4a: {  	_ =	shalt  }
0x4b: {  	_ =	shalt  }
0x4c: {  	_ =	shalt  }
0x4d: {  	_ =	shalt  }
0x4e: {  	_ =	shalt  }
0x4f: {  	_ =	shalt  }
0x50: {  	_ =	shalt  }
0x51: {  	_ =	shalt  }
0x52: {  	_ =	shalt  }
0x53: {  	_ =	shalt  }
0x54: {  	_ =	shalt  }
0x55: {  	_ =	shalt  }
0x56: {  	_ =	shalt  }
0x57: {  	_ =	shalt  }
0x58: {  	_ =	shalt  }
0x59: {  	_ =	shalt  }
0x5a: {  	_ =	shalt  }
0x5b: {  	_ =	shalt  }
0x5c: {  	_ =	shalt  }
0x5d: {  	_ =	shalt  }
0x5e: {  	_ =	shalt  }
0x5f: {  	_ =	shalt  }
0x60: {  	_ =	shalt  }
0x61: {  	_ =	shalt  }
0x62: {  	_ =	shalt  }
0x63: {  	_ =	shalt  }
0x64: {  	_ =	shalt  }
0x65: {  	_ =	shalt  }
0x66: {  	_ =	shalt  }
0x67: {  	_ =	shalt  }
0x68: {  	_ =	shalt  }
0x69: {  	_ =	shalt  }
0x6a: {  	_ =	shalt  }
0x6b: {  	_ =	shalt  }
0x6c: {  	_ =	shalt  }
0x6d: {  	_ =	shalt  }
0x6e: {  	_ =	shalt  }
0x6f: {  	_ =	shalt  }
0x70: {  	_ =	shalt  }
0x71: {  	_ =	shalt  }
0x72: {  	_ =	shalt  }
0x73: {  	_ =	shalt  }
0x74: {  	_ =	shalt  }
0x75: {  	_ =	shalt  }
0x76: {  	_ =	shalt  }
0x77: {  	_ =	shalt  }
0x78: {  	_ =	shalt  }
0x79: {  	_ =	shalt  }
0x7a: {  	_ =	shalt  }
0x7b: {  	_ =	shalt  }
0x7c: {  	_ =	shalt  }
0x7d: {  	_ =	shalt  }
0x7e: {  	_ =	shalt  }
0x7f: {  	_ =	shalt  }
0x80: {  	_ =	shalt  }
0x81: {  	_ =	shalt  }
0x82: {  	_ =	shalt  }
0x83: {  	_ =	shalt  }
0x84: {  	_ =	shalt  }
0x85: {  	_ =	shalt  }
0x86: {  	_ =	shalt  }
0x87: {  	_ =	shalt  }
.Lfunc_end0:
.L_simem_size_0:
called_computation.2_lowered:
.L_overlay_start_0:
0x88: {  	s2 =	sld [smem:$0x3FD9]  }
0x89: {  	s3 =	sld [smem:$0x3FFE];
	_ =	sdelay $0x1  }
0x8a: {  	s1 =	srdreg.scid  }
0x8b: {  	s0 =	sand.u32 $0x1, s1  }
0x8c: {  	s17 =	sshll.u32 s0, $0xA;
	s2 =	sadd.s32 s3, s2  }
0x8d: {  	s2 =	sadd.s32 s2, s17  }
0x8e: {  	[smem:$0x3FC2] =	sst s2  }
0x8f: {  	_ = 	snop  }
0x90: {  	s2 =	sld [smem:$0x3FD0];
	(tm) =	ssettm $0x1  }
0x91: {  	s18 =	sld [smem:$0x3FFB];
	_ =	sdelay $0x3  }
0x92: {  	_ =	strace s18  }
0x93: {  	s3 =	sld [smem:$0x3FFC];
	_ =	sdelay $0x3  }
0x94: {  	_ =	strace s3  }
0x95: {  	s3 =	sld [smem:$0x3FFD];
	_ =	sdelay $0x3  }
0x96: {  	_ =	strace s3  }
0x97: {  	_ =	strace $0x8FFFFFFF  }
0x98: {  	s19 =	sld [smem:$0x3FDB];
	_ =	sdelay $0x1  }
0x99: {  	s4 =	simm.s32 $_scs_section_size  }
0x9a: {  	s5 =	simm.s32 $_size__tile_overlayer_lowered;
	s6 =	simm.s32 $_tile_overlayer_lowered  }
0x9b: {  	s22 =	simm.s32 $0x1BFF;
	s21 =	sshll.u32 s6, $0x1;
	s3 =	sadd.s32 s4, s19  }
0x9c: {  	s7 =	simm.s32 $0x0;
	s20 =	sshll.u32 s5, $0x1;
	s5 =	sadd.s32 s21, s3  }
0x9d: {  	[timem:s7], [sflag:s22] =	dma.local [hbm:s5], s20  }
0x9e: {  	_ =	swait.ge [sflag:s22], s20  }
0x9f: {  	s4 =	ssub.s32 $0x0, s20;
	[sflag:s22] =	ssyncset.done $0x0  }
0xa0: {  	[sflag:s22] =	ssyncadd.s32 s4;
	_ =	sdelay $0x1  }
0xa1: {  	s23 =	simm.s32 $0x1B8B  }
0xa2: {  	_ =	swait.ge [sflag:s23], $0x1  }
0xa3: {  	[sflag:s23] =	ssyncset.done $0x0  }
0xa4: {  	s25 =	simm.s32 $0x1B8E;
	s24 =	sld [smem:$0x3FFE];
	[sflag:s23] =	ssyncadd.s32 $0xFFFFFFFF  }
0xa5: {  	s26 =	simm.s32 $execute0_lowered;
	[smem:$0x3FD2] =	sst s25  }
0xa6: {  	s5 =	sshll.u32 s26, $0x1;
	_ =	strace $0x8000004C;
	[dreg:$0x1] =	wrdreg $0xFFFFFFFF  }
0xa7: {  	s28 =	simm.s32 $_size_execute0_lowered;
	s3 =	sadd.s32 s3, s5;
	[dreg:$0x0] =	wrdreg $0x0  }
0xa8: {  	s5 =	sshll.u32 s28, $0x1;
	[dreg:$0x2] =	wrdreg s3  }
0xa9: {  	[dreg:$0x3] =	wrdreg s5  }
0xaa: {  	[dreg:$0x4] =	wrdreg $0xC0  }
0xab: {  	_ =	task [dreg:s7], $0x5FFFF  }
0xac: {  	[dreg:$0x1] =	wrdreg $0xFFFFFFFF  }
0xad: {  	[dreg:$0x0] =	wrdreg $0x60  }
0xae: {  	[dreg:$0x2] =	wrdreg s24  }
0xaf: {  	[dreg:$0x3] =	wrdreg s2  }
0xb0: {  	[dreg:$0x4] =	wrdreg $0xAA000  }
0xb1: {  	[dreg:$0x5] =	wrdreg $0x9  }
0xb2: {  	_ =	task.clear_ibuf [dreg:s7], $0x6FFFF;
	_ =	strace $0x9000004C  }
0xb3: {  	s29 =	simm.s32 $0x9;
	_ =	strace $0x8000004E  }
0xb4: {  	_ =	swait.ge [sflag:s29], $0x1  }
0xb5: {  	[sflag:s29] =	ssyncadd.s32 $0xFFFFFFFF  }
0xb6: {  	_ =	strace $0x9000004E  }
0xb7: {  	_ =	sfence  }
0xb8: {  	s30 =	sld [smem:$0x0];
	_ =	sdelay $0x2  }
0xb9: {  	s31 =	sshll.u32 s1, $0xD;
	s1 =	sshrl.u32 s1, $0x2  }
0xba: {  	s3 =	sand.u32 $0x4000, s31;
	s1 =	sadd.s32 s1, s30  }
0xbb: {  	s0 =	sor.u32 s3, s0;
	s1 =	sshll.u32 s1, $0x11  }
0xbc: {  	s0 =	sor.u32 s1, s0  }
0xbd: {  	s0 =	sadd.s32 $0x8F2B, s0  }
0xbe: {  	[sflag:s0] =	ssyncadd.remote.s32 $0x1  }
0xbf: {  	_ =	sfence.sel $0xFFFF  }
0xc0: {  	[dreg:$0x0] =	wrdreg $0xFFFFFFFF;
	(pc) =	sbr.abs _section_cstart, $3  }
0xc1: {  	[dreg:$0x1] =	wrdreg $0xFFFFFFFF  }
0xc2: {  	_ =	task.clear_ibuf [dreg:s7], $0x2FFFF;
	_ =	strace $0x9FFFFFFF  }
0xc3: {  	(tm) =	ssettm $0x7FFFFFFF  }
tec
execute0_lowered:
.L_overlay_start_1:
0x0: {  	(tag) =	ssettag $0x1  }
0x1: {  	s0 =	srdreg.scid;
	s1 =	rddreg [dreg:$0x0]  }
0x2: {  	s3 =	rddreg [dreg:$0x1];
	s9 =	stileid.u32  }
0x3: {  	s2 =	rddreg [dreg:$0x2];
	s6 =	simm.s32 $0x0;
	s21 =	simm.s32 $0x5  }
0x4: {  	s22 =	simm.s32 $0x80;
	s28 =	simm.s32 $0x1;
	s29 =	simm.s32 $0x2880  }
0x5: {  	s30 =	simm.s32 $0x2;
	s31 =	simm.s32 $0x2980;
	s0 =	sand.u32 $0x1, s0  }
0x6: {  	[smem:$0x7FF] =	sst s6;
	s7 =	smul.u32 $0x4E000, s9;
	s4 =	sshll.u32 s0, $0x4  }
0x7: {  	s23 =	smul.u32 $0x27100, s0;
	_ =	strace $0x8000004D;
	s8 =	ssub.s32 $0x2, s0  }
0x8: {  	p3 =	sne.s32 s0, $0x0;
	s4 =	sor.u32 s9, s4;
	s24 =	sshrl.u32 s8, $0x1  }
0x9: {  	s7 =	sshrl.u32 s7, $0x2;
	p1 =	seq.s32 @p3 s9, $0xF;
	p4 =	seq.s32 @!p3 s9, $0xF  }
0xa: {  	s5 =	smul.u32 $0x500, s4;
	s4 =	sadd.s32 $0x65600, s1;
	s13 =	sadd.s32 s23, s1  }
0xb: {  	s14 =	ssub.s32 s8, s24;
	s6 =	sadd.s32 s7, s2;
	s8 =	sadd.s32 $0x124800, s2  }
0xc: {  	p0 =	por !p1, !p3;
	p1 =	por p1, !p3;
	p2 =	por p4, p3  }
0xd: {  	p3 =	por !p4, p3;
	s23 =	simm.s32 $0x2800;
	s24 =	simm.s32 $0x2A00  }
0xe: {  	p4 =	seq.s32 s9, $0xF;
	s13 =	sadd.s32 $0x8C800, s13;
	s14 =	smax.u32 s14, $0x1  }
0xf: {  	s15 =	sshrl.u32 @!p0 s8, $0x3;
	s0 =	sshll.u32 @!p1 s9, $0x6;
	s17 =	sshrl.u32 @!p1 s6, $0x3  }
0x10: {  	s18 =	sshrl.u32 @!p3 s8, $0x3;
	s12 =	sadd.s32 s5, s1;
	s5 =	smul.u32 $0x2700, s9  }
0x11: {  	s20 =	sshrl.u32 @!p2 s6, $0x3;
	s1 =	sadd.s32 $0x89F00, s1;
	s16 =	sor.u32 @!p1 $0x1C05, s0  }
.Ltmp0:
0x12: {  	[dreg:$0x7] =	wrdreg s1;
	s25 =	sadd.s32 s3, s5;
	(pc) =	sbr.rel .LBB2_1-.Ltmp0, $4  }
0x13: {  	s0 =	sshll.u32 @!p2 s9, $0x6;
	s3 =	sadd.s32 $0x24900, s3;
	[dreg:$0x4] =	wrdreg s25  }
0x14: {  	s12 =	sadd.s32 $0x5B600, s12;
	s26 =	sadd.s32 s4, s5;
	[dreg:$0x5] =	wrdreg s3  }
0x15: {  	s19 =	sor.u32 @!p2 $0x1C05, s0;
	s1 =	simm.s32 $0x3;
	[dreg:$0x6] =	wrdreg s26  }
0x16: {  	s26 =	simm.s32 $0x6A00;
	s3 =	simm.s32 $0x4;
	s25 =	simm.s32 $0x0  }
.LBB2_6:
0x17: {  	_ =	swait.ge [sflag:s1], $0x4000  }
0x18: {  	[sflag:s1] =	ssyncset.done $0x0  }
0x19: {  	[sflag:s1] =	ssyncadd.s32 $0xFFFFC000  }
0x1a: {  	_ =	swait.ge [sflag:s3], $0x4000  }
0x1b: {  	[sflag:s3] =	ssyncset.done $0x0  }
0x1c: {  	s0 =	sadd.s32 @p4 $0x24900, s13;
	[sflag:s3] =	ssyncadd.s32 $0xFFFFC000  }
0x1d: {  	s7 =	sshrl.u32 @p4 s8, $0x3;
	s9 =	simm.s32 @p4 $0x1FC5;
	[bflag:$0x0] =	sbarrier.arrive $0xFFFF  }
0x1e: {  	[hbm:s0], [sflag:s9] =	dma.local @p4 [spmem:s7], $0x2800  }
0x1f: {  	s0 =	simm.s32 @p4 $0x5  }
0x20: {  	_ =	swait.ge @p4 [sflag:s0], $0x2800  }
0x21: {  	[sflag:s0] =	ssyncset.done @p4 $0x0  }
0x22: {  	s25 =	sadd.s32 $0x1, s25;
	[sflag:s0] =	ssyncadd.s32 @p4 $0xFFFFD800;
	s0 =	stileid.u32  }
0x23: {  	p5 =	sne.s32 s25, s14;
	s0 =	sshll.u32 @!p4 s0, $0x6  }
0x24: {  	s7 =	sadd.s32 @!p4 s5, s13;
	s9 =	sshrl.u32 @!p4 s6, $0x3;
	s0 =	sor.u32 @!p4 $0x1C05, s0  }
0x25: {  	[hbm:s7], [sflag:s0] =	dma.local @!p4 [spmem:s9], $0x2700  }
.Ltmp1:
0x26: {  	_ = 	snop;
	(pc) =	sbr.rel @!p5 .LBB2_7-.Ltmp1, $4  }
0x27: {  	s0 =	simm.s32 @!p4 $0x5  }
0x28: {  	_ =	swait.ge @!p4 [sflag:s0], $0x2700  }
0x29: {  	[sflag:s0] =	ssyncset.done @!p4 $0x0  }
0x2a: {  	[sflag:s0] =	ssyncadd.s32 @!p4 $0xFFFFD900  }
.LBB2_1:
0x2b: {  	s0 =	simm.s32 @!p0 $0x1FC5;
	s7 =	rddreg [dreg:$0x5]  }
0x2c: {  	[spmem:s15], [sflag:s0] =	dma.local @!p0 [hbm:s7], $0x2800  }
0x2d: {  	s0 =	simm.s32 @!p0 $0x5  }
0x2e: {  	_ =	swait.ge @!p0 [sflag:s0], $0x2800  }
0x2f: {  	[sflag:s0] =	ssyncset.done @!p0 $0x0  }
0x30: {  	[sflag:s0] =	ssyncadd.s32 @!p0 $0xFFFFD800;
	s0 =	rddreg [dreg:$0x4]  }
0x31: {  	[spmem:s17], [sflag:s16] =	dma.local @!p1 [hbm:s0], $0x2700  }
0x32: {  	s0 =	simm.s32 @!p1 $0x5  }
0x33: {  	_ =	swait.ge @!p1 [sflag:s0], $0x2700  }
0x34: {  	[sflag:s0] =	ssyncset.done @!p1 $0x0  }
0x35: {  	s7 =	rddreg [dreg:$0x7];
	[sflag:s0] =	ssyncadd.s32 @!p1 $0xFFFFD900;
	s0 =	simm.s32 @!p3 $0x1FC5  }
0x36: {  	[spmem:s18], [sflag:s0] =	dma.local @!p3 [hbm:s7], $0x2800  }
0x37: {  	s0 =	simm.s32 @!p3 $0x5  }
0x38: {  	_ =	swait.ge @!p3 [sflag:s0], $0x2800  }
0x39: {  	[sflag:s0] =	ssyncset.done @!p3 $0x0  }
0x3a: {  	[sflag:s0] =	ssyncadd.s32 @!p3 $0xFFFFD800;
	s0 =	rddreg [dreg:$0x6]  }
0x3b: {  	[spmem:s20], [sflag:s19] =	dma.local @!p2 [hbm:s0], $0x2700  }
0x3c: {  	s0 =	simm.s32 @!p2 $0x5  }
0x3d: {  	_ =	swait.ge @!p2 [sflag:s0], $0x2700  }
0x3e: {  	[sflag:s0] =	ssyncset.done @!p2 $0x0  }
0x3f: {  	s10 =	simm.s32 $0x0;
	[sflag:s0] =	ssyncadd.s32 @!p2 $0xFFFFD900  }
0x40: {  	[tilespmem:s10], [sflag:$0x5] =	stream.linear.gather [hbm4b:s12+s10], $0x2780, $0x38;
	[tilespmem:$0x1E680] =	vst v63  }
0x41: {  	_ =	swait.ge [sflag:s21], $0x2780  }
0x42: {  	[sflag:s21] =	ssyncset.done $0x0  }
0x43: {  	[sflag:s21] =	ssyncadd.s32 $0xFFFFD880  }
0x44: {  	[bflag:$0x0] =	sbarrier.arrive $0xFFFF  }
0x45: {  	v0 =	vld [tilespmem:$0x0];
	_ =	sdelay $0x1  }
0x46: {  	v1 =	vld [tilespmem:$0x10];
	_ =	sdelay $0x1  }
0x47: {  	v2 =	vld [tilespmem:$0x20]  }
0x48: {  	v3 =	vand.u32 $0x3FFF, v0  }
0x49: {  	v22 =	vld [tilespmem:$0x30];
	v0 =	vshrl.u32 v0, $0xE;
	[tilespmem:$0x2800] =	vst v3  }
0x4a: {  	v23 =	vand.u32 $0x3FFF, v1;
	[tilespmem:$0x2880] =	vst v0  }
0x4b: {  	v25 =	vld [tilespmem:$0x40];
	v24 =	vshrl.u32 v1, $0xE;
	[tilespmem:$0x2810] =	vst v23  }
0x4c: {  	v26 =	vand.u32 $0x3FFF, v2;
	[tilespmem:$0x2890] =	vst v24  }
0x4d: {  	v28 =	vld [tilespmem:$0x50];
	v27 =	vshrl.u32 v2, $0xE;
	[tilespmem:$0x2820] =	vst v26  }
0x4e: {  	v29 =	vand.u32 $0x3FFF, v22;
	[tilespmem:$0x28A0] =	vst v27  }
0x4f: {  	v31 =	vld [tilespmem:$0x60];
	v30 =	vshrl.u32 v22, $0xE;
	[tilespmem:$0x2830] =	vst v29  }
0x50: {  	v32 =	vand.u32 $0x3FFF, v25;
	[tilespmem:$0x28B0] =	vst v30  }
0x51: {  	v34 =	vld [tilespmem:$0x70];
	v33 =	vshrl.u32 v25, $0xE;
	[tilespmem:$0x2840] =	vst v32  }
0x52: {  	v35 =	vand.u32 $0x3FFF, v28;
	[tilespmem:$0x28C0] =	vst v33  }
0x53: {  	v36 =	vshrl.u32 v28, $0xE;
	[tilespmem:$0x2850] =	vst v35  }
0x54: {  	v37 =	vand.u32 $0x3FFF, v31;
	[tilespmem:$0x28D0] =	vst v36  }
0x55: {  	v38 =	vshrl.u32 v31, $0xE;
	[tilespmem:$0x2860] =	vst v37  }
0x56: {  	v39 =	vand.u32 $0x3FFF, v34;
	[tilespmem:$0x28E0] =	vst v38  }
0x57: {  	v40 =	vshrl.u32 v34, $0xE;
	[tilespmem:$0x2870] =	vst v39  }
0x58: {  	[tilespmem:$0x28F0] =	vst v40  }
0x59: {  	[tilespmem:s24], [sflag:$0x1] =	stream.indirect.gather [hbm4b:s4+s22], $0x80, s23, s22, $0xb8;
	[tilespmem:$0x1E680] =	vst v63  }
0x5a: {  	v41 =	vld [tilespmem:$0x80];
	_ =	sdelay $0x1  }
0x5b: {  	v42 =	vld [tilespmem:$0x90];
	_ =	sdelay $0x1  }
0x5c: {  	v43 =	vld [tilespmem:$0xA0]  }
0x5d: {  	v44 =	vand.u32 $0x3FFF, v41  }
0x5e: {  	v45 =	vld [tilespmem:$0xB0];
	v0 =	vshrl.u32 v41, $0xE;
	[tilespmem:$0x2900] =	vst v44  }
0x5f: {  	v46 =	vand.u32 $0x3FFF, v42;
	[tilespmem:$0x2980] =	vst v0  }
0x60: {  	v48 =	vld [tilespmem:$0xC0];
	v47 =	vshrl.u32 v42, $0xE;
	[tilespmem:$0x2910] =	vst v46  }
0x61: {  	v49 =	vand.u32 $0x3FFF, v43;
	[tilespmem:$0x2990] =	vst v47  }
0x62: {  	v51 =	vld [tilespmem:$0xD0];
	v50 =	vshrl.u32 v43, $0xE;
	[tilespmem:$0x2920] =	vst v49  }
0x63: {  	v52 =	vand.u32 $0x3FFF, v45;
	[tilespmem:$0x29A0] =	vst v50  }
0x64: {  	v54 =	vld [tilespmem:$0xE0];
	v53 =	vshrl.u32 v45, $0xE;
	[tilespmem:$0x2930] =	vst v52  }
0x65: {  	v55 =	vand.u32 $0x3FFF, v48;
	[tilespmem:$0x29B0] =	vst v53  }
0x66: {  	v57 =	vld [tilespmem:$0xF0];
	v56 =	vshrl.u32 v48, $0xE;
	[tilespmem:$0x2940] =	vst v55  }
0x67: {  	v58 =	vand.u32 $0x3FFF, v51;
	[tilespmem:$0x29C0] =	vst v56  }
0x68: {  	v59 =	vshrl.u32 v51, $0xE;
	[tilespmem:$0x2950] =	vst v58  }
0x69: {  	v60 =	vand.u32 $0x3FFF, v54;
	[tilespmem:$0x29D0] =	vst v59  }
.Ltmp2:
0x6a: {  	v61 =	vshrl.u32 v54, $0xE;
	[tilespmem:$0x2960] =	vst v60;
	(pc) =	sbr.rel .LBB2_2-.Ltmp2, $4  }
0x6b: {  	v62 =	vand.u32 $0x3FFF, v57;
	[tilespmem:$0x29E0] =	vst v61  }
0x6c: {  	v63 =	vshrl.u32 v57, $0xE;
	[tilespmem:$0x2970] =	vst v62  }
0x6d: {  	s11 =	simm.s32 $0x2900;
	s7 =	simm.s32 $0x0;
	s0 =	simm.s32 $0x1F0;
	[tilespmem:$0x29F0] =	vst v63  }
0x6e: {  	[tilespmem:s26], [sflag:$0x2] =	stream.indirect.gather [hbm4b:s4+s22], $0x80, s11, s22, $0xb8;
	[tilespmem:$0x1E680] =	vst v63  }
.LBB2_3:
0x6f: {  	_ =	swait.ge [sflag:s30], $0x4000  }
0x70: {  	[sflag:s30] =	ssyncset.done $0x0  }
0x71: {  	[sflag:s30] =	ssyncadd.s32 $0xFFFFC000  }
0x72: {  	[spmem:s2] =	stream.indirect.scatter.add.f32 [tilespmem:s26], [sflag:$0x4], $0x80, s31, s22, $0xb8;
	[tilespmem:$0x1E680] =	vst v63  }
.LBB2_5:
0x73: {  	_ =	swait.ge [sflag:s1], $0x4000  }
0x74: {  	[sflag:s1] =	ssyncset.done $0x0  }
0x75: {  	[sflag:s1] =	ssyncadd.s32 $0xFFFFC000  }
0x76: {  	v0 =	vld [tilespmem:s0+$0xFFFFFF10];
	_ =	sdelay $0x4  }
0x77: {  	v1 =	vand.u32 $0x3FFF, v0  }
0x78: {  	v0 =	vshrl.u32 v0, $0xE;
	[tilespmem:$0x2800] =	vst v1  }
0x79: {  	[tilespmem:$0x2880] =	vst v0  }
0x7a: {  	v0 =	vld [tilespmem:s0+$0xFFFFFF20];
	_ =	sdelay $0x4  }
0x7b: {  	v57 =	vand.u32 $0x3FFF, v0  }
0x7c: {  	v0 =	vshrl.u32 v0, $0xE;
	[tilespmem:$0x2810] =	vst v57  }
0x7d: {  	[tilespmem:$0x2890] =	vst v0  }
0x7e: {  	v0 =	vld [tilespmem:s0+$0xFFFFFF30];
	_ =	sdelay $0x4  }
0x7f: {  	v58 =	vand.u32 $0x3FFF, v0  }
0x80: {  	v0 =	vshrl.u32 v0, $0xE;
	[tilespmem:$0x2820] =	vst v58  }
0x81: {  	[tilespmem:$0x28A0] =	vst v0  }
0x82: {  	v0 =	vld [tilespmem:s0+$0xFFFFFF40];
	_ =	sdelay $0x4  }
0x83: {  	v59 =	vand.u32 $0x3FFF, v0  }
0x84: {  	v0 =	vshrl.u32 v0, $0xE;
	[tilespmem:$0x2830] =	vst v59  }
0x85: {  	[tilespmem:$0x28B0] =	vst v0  }
0x86: {  	v0 =	vld [tilespmem:s0+$0xFFFFFF50];
	_ =	sdelay $0x4  }
0x87: {  	v60 =	vand.u32 $0x3FFF, v0  }
0x88: {  	v0 =	vshrl.u32 v0, $0xE;
	[tilespmem:$0x2840] =	vst v60  }
0x89: {  	[tilespmem:$0x28C0] =	vst v0  }
0x8a: {  	v0 =	vld [tilespmem:s0+$0xFFFFFF60];
	_ =	sdelay $0x4  }
0x8b: {  	v61 =	vand.u32 $0x3FFF, v0  }
0x8c: {  	v0 =	vshrl.u32 v0, $0xE;
	[tilespmem:$0x2850] =	vst v61  }
0x8d: {  	[tilespmem:$0x28D0] =	vst v0  }
0x8e: {  	v0 =	vld [tilespmem:s0+$0xFFFFFF70];
	_ =	sdelay $0x4  }
0x8f: {  	v62 =	vand.u32 $0x3FFF, v0  }
0x90: {  	v0 =	vshrl.u32 v0, $0xE;
	[tilespmem:$0x2860] =	vst v62  }
0x91: {  	[tilespmem:$0x28E0] =	vst v0  }
0x92: {  	v0 =	vld [tilespmem:s0+$0xFFFFFF80];
	_ =	sdelay $0x4  }
0x93: {  	v63 =	vand.u32 $0x3FFF, v0  }
0x94: {  	p5 =	sgt.u32 s7, $0x25;
	v0 =	vshrl.u32 v0, $0xE;
	[tilespmem:$0x2870] =	vst v63  }
0x95: {  	s9 =	simm.s32 @!p5 $0x4;
	[tilespmem:$0x28F0] =	vst v0  }
0x96: {  	[tilespmem:s24], [sflag:$0x1] =	stream.indirect.gather [hbm4b:s4+s22], $0x80, s23, s22, $0xb8;
	[tilespmem:$0x1E680] =	vst v63  }
0x97: {  	_ =	swait.ge @!p5 [sflag:s9], $0x4000  }
0x98: {  	[sflag:s9] =	ssyncset.done @!p5 $0x0  }
0x99: {  	[sflag:s9] =	ssyncadd.s32 @!p5 $0xFFFFC000  }
0x9a: {  	v0 =	vld @!p5 [tilespmem:s0+$0xFFFFFF90];
	_ =	sdelay $0x4  }
0x9b: {  	v1 =	vand.u32 @!p5 $0x3FFF, v0  }
0x9c: {  	v0 =	vshrl.u32 @!p5 v0, $0xE;
	[tilespmem:$0x2900] =	vst @!p5 v1  }
0x9d: {  	[tilespmem:$0x2980] =	vst @!p5 v0  }
0x9e: {  	v0 =	vld @!p5 [tilespmem:s0+$0xFFFFFFA0];
	_ =	sdelay $0x4  }
0x9f: {  	v1 =	vand.u32 @!p5 $0x3FFF, v0  }
0xa0: {  	v0 =	vshrl.u32 @!p5 v0, $0xE;
	[tilespmem:$0x2910] =	vst @!p5 v1  }
0xa1: {  	[tilespmem:$0x2990] =	vst @!p5 v0  }
0xa2: {  	v0 =	vld @!p5 [tilespmem:s0+$0xFFFFFFB0];
	_ =	sdelay $0x4  }
0xa3: {  	v1 =	vand.u32 @!p5 $0x3FFF, v0  }
0xa4: {  	v0 =	vshrl.u32 @!p5 v0, $0xE;
	[tilespmem:$0x2920] =	vst @!p5 v1  }
0xa5: {  	[tilespmem:$0x29A0] =	vst @!p5 v0  }
0xa6: {  	v0 =	vld @!p5 [tilespmem:s0+$0xFFFFFFC0];
	_ =	sdelay $0x4  }
0xa7: {  	v1 =	vand.u32 @!p5 $0x3FFF, v0  }
0xa8: {  	v0 =	vshrl.u32 @!p5 v0, $0xE;
	[tilespmem:$0x2930] =	vst @!p5 v1  }
0xa9: {  	[tilespmem:$0x29B0] =	vst @!p5 v0  }
0xaa: {  	v0 =	vld @!p5 [tilespmem:s0+$0xFFFFFFD0];
	_ =	sdelay $0x4  }
0xab: {  	v1 =	vand.u32 @!p5 $0x3FFF, v0  }
0xac: {  	v0 =	vshrl.u32 @!p5 v0, $0xE;
	[tilespmem:$0x2940] =	vst @!p5 v1  }
0xad: {  	[tilespmem:$0x29C0] =	vst @!p5 v0  }
0xae: {  	v0 =	vld @!p5 [tilespmem:s0+$0xFFFFFFE0];
	_ =	sdelay $0x4  }
0xaf: {  	v1 =	vand.u32 @!p5 $0x3FFF, v0  }
0xb0: {  	v0 =	vshrl.u32 @!p5 v0, $0xE;
	[tilespmem:$0x2950] =	vst @!p5 v1  }
0xb1: {  	[tilespmem:$0x29D0] =	vst @!p5 v0  }
0xb2: {  	v0 =	vld @!p5 [tilespmem:s0+$0xFFFFFFF0];
	_ =	sdelay $0x4  }
0xb3: {  	v1 =	vand.u32 @!p5 $0x3FFF, v0  }
0xb4: {  	v0 =	vshrl.u32 @!p5 v0, $0xE;
	[tilespmem:$0x2960] =	vst @!p5 v1  }
0xb5: {  	[tilespmem:$0x29E0] =	vst @!p5 v0  }
0xb6: {  	v0 =	vld @!p5 [tilespmem:s0+$0x0];
	_ =	sdelay $0x4  }
0xb7: {  	v1 =	vand.u32 @!p5 $0x3FFF, v0  }
0xb8: {  	s7 =	sadd.s32 $0x1, s7;
	v0 =	vshrl.u32 @!p5 v0, $0xE;
	[tilespmem:$0x2970] =	vst @!p5 v1  }
0xb9: {  	s10 =	simm.s32 @!p5 $0x2900;
	s11 =	simm.s32 @!p5 $0x6A00;
	s9 =	simm.s32 @!p5 $0x80;
	[tilespmem:$0x29F0] =	vst @!p5 v0  }
0xba: {  	[tilespmem:s11], [sflag:$0x2] =	stream.indirect.gather @!p5 [hbm4b:s4+s9], $0x80, s10, s9, $0xb8;
	[tilespmem:$0x1E680] =	vst v63  }
0xbb: {  	p5 =	sne.s32 s7, $0x28  }
.Ltmp3:
0xbc: {  	_ = 	snop;
	(pc) =	sbr.rel @!p5 .LBB2_6-.Ltmp3, $2  }
0xbd: {  	_ =	sdelay $0x2  }
0xbe: {  	s0 =	sadd.s32 $0x100, s0  }
.LBB2_2:
0xbf: {  	p5 =	sgt.u32 s7, $0x26  }
.Ltmp4:
0xc0: {  	_ = 	snop;
	(pc) =	sbr.rel @!p5 .LBB2_3-.Ltmp4, $4  }
0xc1: {  	_ =	swait.ge [sflag:s28], $0x4000  }
0xc2: {  	[sflag:s28] =	ssyncset.done $0x0  }
0xc3: {  	[sflag:s28] =	ssyncadd.s32 $0xFFFFC000  }
0xc4: {  	[spmem:s2] =	stream.indirect.scatter.add.f32 [tilespmem:s24], [sflag:$0x3], $0x80, s29, s22, $0xb8;
	[tilespmem:$0x1E680] =	vst v63  }
0xc5: {  	p5 =	seq.s32 s7, $0x27  }
.Ltmp5:
0xc6: {  	_ = 	snop;
	(pc) =	sbr.rel @!p5 .LBB2_5-.Ltmp5, $4  }
.Ltmp6:
0xc7: {  	_ = 	snop;
	(pc) =	sbr.rel @p5 .LBB2_6-.Ltmp6, $4  }
0xc8: {  	_ = 	snop  }
0xc9: {  	_ = 	snop  }
0xca: {  	_ = 	snop  }
0xcb: {  	_ = 	snop  }
.LBB2_7:
0xcc: {  	_ =	sfence.sel $0x180000  }
0xcd: {  	[bflag:$0x0] =	sbarrier.arrive $0xFFFF  }
0xce: {  	_ =	strace $0x9000004D  }
0xcf: {  	s0 =	stileid.u32;
	[bflag:$0x2] =	sbarrier.arrive $0xFFFF  }
0xd0: {  	p0 =	sne.s32 s0, $0x0;
	s0 =	rddreg [dreg:$0x3]  }
0xd1: {  	s0 =	sadd.s32 @!p0 $0x100000, s0  }
0xd2: {  	[sflag:s0] =	ssyncadd.tile.s32 @!p0 $0x1;
	_ =	shalt  }
.Lfunc_end2:
_tile_overlayer_lowered:
.L_overlay_start_2:
0xd3: {  	(tag) =	ssettag $0x2  }
0xd4: {  	s0 =	rddreg [dreg:$0x0];
	s2 =	stileid.u32  }
0xd5: {  	s1 =	rddreg [dreg:$0x1];
	p0 =	sne.s32 s2, $0x0  }
0xd6: {  	s3 =	rddreg [dreg:$0x2];
	[bflag:$0x3] =	sbarrier.arrive $0xFFFF;
	s2 =	simm.s32 @!p0 $0x1C05  }
0xd7: {  	[timem:s3], [sflag:s2] =	dma.local @!p0 [hbm:s0], s1  }
0xd8: {  	s0 =	simm.s32 @!p0 $0x5  }
0xd9: {  	_ =	swait.ge @!p0 [sflag:s0], s1  }
0xda: {  	s1 =	ssub.s32 @!p0 $0x0, s1;
	[sflag:s0] =	ssyncset.done @!p0 $0x0  }
0xdb: {  	[sflag:s0] =	ssyncadd.s32 @!p0 s1  }
0xdc: {  	[bflag:$0x3] =	sbarrier.arrive $0xFFFF  }
0xdd: {  	_ =	shalt  }

// kernel: kernel.9.cloned.1.call-start
scs
__scs_entry_jumppad:
0x0: {  	(pc) =	sbr.rel $0x88, $3  }
0x1: {  	(tag) =	ssettag $0x0;
	lr =	simm.s32 $0x1  }
0x2: {  	[smem:$0x3F9B] =	sst lr;
	_ =	strace $0xD0000000  }
0x3: {  	_ = 	snop  }
0x4: {  	_ = 	snop  }
0x5: {  	_ = 	snop  }
0x6: {  	_ = 	snop  }
0x7: {  	_ = 	snop  }
__scs_overlays_trampoline_lowered:
0x8: {  	[smem:$0x3FAA] =	sst s0  }
0x9: {  	[smem:$0x3FAB] =	sst s1  }
0xa: {  	[smem:$0x3FAC] =	sst s2  }
0xb: {  	[smem:$0x3FAD] =	sst s3  }
0xc: {  	[smem:$0x3FAE] =	sst s4  }
0xd: {  	[smem:$0x3FAF] =	sst s5  }
0xe: {  	[smem:$0x3FB0] =	sst s6  }
0xf: {  	[smem:$0x3FB1] =	sst s7  }
0x10: {  	[smem:$0x3FB2] =	sst s8  }
0x11: {  	[smem:$0x3FB3] =	sst s9;
	s0 =	simm.s32 @!p0 $0x0  }
0x12: {  	s1 =	sld [smem:$0x3F99];
	s0 =	simm.s32 @p0 $0x1  }
0x13: {  	[smem:$0x3FB4] =	sst s0;
	s0 =	simm.s32 @!p1 $0x0  }
0x14: {  	s2 =	sld [smem:$0x3F98];
	s0 =	simm.s32 @p1 $0x1  }
0x15: {  	[smem:$0x3FB5] =	sst s0;
	s0 =	simm.s32 @!p2 $0x0  }
0x16: {  	s3 =	sld [smem:$0x3FDB];
	s0 =	simm.s32 @p2 $0x1  }
0x17: {  	s4 =	simm.s32 $0x1BF5;
	[smem:$0x3FB7] =	sst s0  }
0x18: {  	s0 =	sld [smem:$0x3F9A];
	_ =	swait.ge [sflag:s4], $0x0  }
0x19: {  	s7 =	sld [smem:$0x3F9B]  }
0x1a: {  	s8 =	sadd.s32 $0xFFFFE003, lr  }
0x1b: {  	s9 =	sadd.s32 $0xFFFFFEF7, lr;
	s5 =	simm.s32 $0xFFFFFFFF;
	p2 =	slt.u32 s8, $0xFFFFF086  }
0x1c: {  	p1 =	slt.u32 s9, $0xF7A;
	s5 =	simm.s32 @!p2 $0x0  }
0x1d: {  	s5 =	simm.s32 @p1 $0x1;
	p0 =	seq.s32 s7, s2  }
0x1e: {  	s7 =	smul.u32 @!p0 $0xF7A, s2;
	p2 =	seq.s32 @!p0 s5, $0x0  }
0x1f: {  	s9 =	smul.u32 $0xF7A, s1;
	s8 =	simm.s32 @!p0 $0x1BF5;
	p2 =	por !p2, p0  }
0x20: {  	[sflag:s8] =	ssyncset.s32 @!p0 $0xFFFFF086;
	s6 =	sadd.s32 @!p0 s3, s7;
	s7 =	simm.s32 @!p0 $0x108  }
0x21: {  	s3 =	sadd.s32 s3, s9;
	s6 =	sadd.s32 @!p0 $0x88, s6;
	s7 =	simm.s32 @p2 $0x1082  }
0x22: {  	[simem:s7], [sflag:s8] =	dma.local @!p0 [hbm:s6], $0xF7A  }
0x23: {  	s9 =	sor.u32 $0xD0000000, s2;
	s6 =	simm.s32 $0x108;
	_ =	swait.ge @!p0 [sflag:s8], $0x0  }
0x24: {  	s3 =	sadd.s32 $0x88, s3;
	s6 =	simm.s32 @!p1 $0x1082;
	[sflag:s4] =	ssyncset.s32 $0xFFFFF086  }
0x25: {  	[simem:s6], [sflag:s4] =	dma.local [hbm:s3], $0xF7A  }
0x26: {  	[smem:$0x3F9B] =	sst s1;
	(tag) =	ssettag s2;
	_ =	strace s9  }
0x27: {  	s1 =	sld [smem:$0x3FAB]  }
0x28: {  	s2 =	sld [smem:$0x3FAC]  }
0x29: {  	s4 =	sld [smem:$0x3FAE]  }
0x2a: {  	p0 =	seq.s32 s5, $0x0;
	s5 =	sld [smem:$0x3FAF]  }
0x2b: {  	s6 =	sld [smem:$0x3FB0]  }
0x2c: {  	s7 =	sld [smem:$0x3FB1]  }
0x2d: {  	s3 =	simm.s32 $0x108;
	s8 =	sld [smem:$0x3FB2]  }
0x2e: {  	s3 =	simm.s32 @!p0 $0x1082;
	s9 =	sld [smem:$0x3FB3]  }
0x2f: {  	lr =	sadd.s32 s0, s3;
	s0 =	sld [smem:$0x3FAA]  }
0x30: {  	s3 =	sld [smem:$0x3FAD]  }
0x31: {  	[smem:$0x3FB6] =	sst s10  }
0x32: {  	s10 =	sld [smem:$0x3FB4];
	_ =	sdelay $0x3  }
0x33: {  	p0 =	seq.s32 s10, $0x1;
	s10 =	sld [smem:$0x3FB6];
	_ =	sdelay $0x3  }
0x34: {  	[smem:$0x3FB6] =	sst s10  }
0x35: {  	s10 =	sld [smem:$0x3FB5];
	_ =	sdelay $0x3  }
0x36: {  	p1 =	seq.s32 s10, $0x1;
	s10 =	sld [smem:$0x3FB6];
	_ =	sdelay $0x3  }
0x37: {  	[smem:$0x3FB6] =	sst s10  }
0x38: {  	s10 =	sld [smem:$0x3FB7]  }
0x39: {  	_ = 	snop;
	(pc) =	sbr.ind lr, $3  }
0x3a: {  	_ = 	snop  }
0x3b: {  	_ = 	snop  }
0x3c: {  	p2 =	seq.s32 s10, $0x1;
	s10 =	sld [smem:$0x3FB6]  }
0x3d: {  	_ =	shalt  }
0x3e: {  	_ =	shalt  }
0x3f: {  	_ =	shalt  }
0x40: {  	_ =	shalt  }
0x41: {  	_ =	shalt  }
0x42: {  	_ =	shalt  }
0x43: {  	_ =	shalt  }
0x44: {  	_ =	shalt  }
0x45: {  	_ =	shalt  }
0x46: {  	_ =	shalt  }
0x47: {  	_ =	shalt  }
0x48: {  	_ =	shalt  }
0x49: {  	_ =	shalt  }
0x4a: {  	_ =	shalt  }
0x4b: {  	_ =	shalt  }
0x4c: {  	_ =	shalt  }
0x4d: {  	_ =	shalt  }
0x4e: {  	_ =	shalt  }
0x4f: {  	_ =	shalt  }
0x50: {  	_ =	shalt  }
0x51: {  	_ =	shalt  }
0x52: {  	_ =	shalt  }
0x53: {  	_ =	shalt  }
0x54: {  	_ =	shalt  }
0x55: {  	_ =	shalt  }
0x56: {  	_ =	shalt  }
0x57: {  	_ =	shalt  }
0x58: {  	_ =	shalt  }
0x59: {  	_ =	shalt  }
0x5a: {  	_ =	shalt  }
0x5b: {  	_ =	shalt  }
0x5c: {  	_ =	shalt  }
0x5d: {  	_ =	shalt  }
0x5e: {  	_ =	shalt  }
0x5f: {  	_ =	shalt  }
0x60: {  	_ =	shalt  }
0x61: {  	_ =	shalt  }
0x62: {  	_ =	shalt  }
0x63: {  	_ =	shalt  }
0x64: {  	_ =	shalt  }
0x65: {  	_ =	shalt  }
0x66: {  	_ =	shalt  }
0x67: {  	_ =	shalt  }
0x68: {  	_ =	shalt  }
0x69: {  	_ =	shalt  }
0x6a: {  	_ =	shalt  }
0x6b: {  	_ =	shalt  }
0x6c: {  	_ =	shalt  }
0x6d: {  	_ =	shalt  }
0x6e: {  	_ =	shalt  }
0x6f: {  	_ =	shalt  }
0x70: {  	_ =	shalt  }
0x71: {  	_ =	shalt  }
0x72: {  	_ =	shalt  }
0x73: {  	_ =	shalt  }
0x74: {  	_ =	shalt  }
0x75: {  	_ =	shalt  }
0x76: {  	_ =	shalt  }
0x77: {  	_ =	shalt  }
0x78: {  	_ =	shalt  }
0x79: {  	_ =	shalt  }
0x7a: {  	_ =	shalt  }
0x7b: {  	_ =	shalt  }
0x7c: {  	_ =	shalt  }
0x7d: {  	_ =	shalt  }
0x7e: {  	_ =	shalt  }
0x7f: {  	_ =	shalt  }
0x80: {  	_ =	shalt  }
0x81: {  	_ =	shalt  }
0x82: {  	_ =	shalt  }
0x83: {  	_ =	shalt  }
0x84: {  	_ =	shalt  }
0x85: {  	_ =	shalt  }
0x86: {  	_ =	shalt  }
0x87: {  	_ =	shalt  }
.Lfunc_end0:
.L_simem_size_0:
called_computation_lowered:
.L_overlay_start_0:
0x88: {  	s2 =	sld [smem:$0x3FD9]  }
0x89: {  	s3 =	sld [smem:$0x3FFE];
	_ =	sdelay $0x1  }
0x8a: {  	s1 =	srdreg.scid  }
0x8b: {  	s0 =	sand.u32 $0x1, s1  }
0x8c: {  	s17 =	sshll.u32 s0, $0xA;
	s2 =	sadd.s32 s3, s2  }
0x8d: {  	s2 =	sadd.s32 s2, s17  }
0x8e: {  	[smem:$0x3FC2] =	sst s2  }
0x8f: {  	_ = 	snop  }
0x90: {  	s2 =	sld [smem:$0x3FD0];
	(tm) =	ssettm $0x1  }
0x91: {  	s18 =	sld [smem:$0x3FFB];
	_ =	sdelay $0x3  }
0x92: {  	_ =	strace s18  }
0x93: {  	s3 =	sld [smem:$0x3FFC];
	_ =	sdelay $0x3  }
0x94: {  	_ =	strace s3  }
0x95: {  	s3 =	sld [smem:$0x3FFD];
	_ =	sdelay $0x3  }
0x96: {  	_ =	strace s3  }
0x97: {  	_ =	strace $0x8FFFFFFF  }
0x98: {  	s19 =	sld [smem:$0x3FDB];
	_ =	sdelay $0x1  }
0x99: {  	s4 =	simm.s32 $_scs_section_size  }
0x9a: {  	s5 =	simm.s32 $_size__tile_overlayer_lowered;
	s6 =	simm.s32 $_tile_overlayer_lowered  }
0x9b: {  	s22 =	simm.s32 $0x1BFF;
	s21 =	sshll.u32 s6, $0x1;
	s3 =	sadd.s32 s4, s19  }
0x9c: {  	s7 =	simm.s32 $0x0;
	s20 =	sshll.u32 s5, $0x1;
	s5 =	sadd.s32 s21, s3  }
0x9d: {  	[timem:s7], [sflag:s22] =	dma.local [hbm:s5], s20  }
0x9e: {  	_ =	swait.ge [sflag:s22], s20  }
0x9f: {  	s4 =	ssub.s32 $0x0, s20;
	[sflag:s22] =	ssyncset.done $0x0  }
0xa0: {  	[sflag:s22] =	ssyncadd.s32 s4;
	_ =	sdelay $0x1  }
0xa1: {  	s23 =	simm.s32 $0x1B8B  }
0xa2: {  	_ =	swait.ge [sflag:s23], $0x1  }
0xa3: {  	[sflag:s23] =	ssyncset.done $0x0  }
0xa4: {  	s25 =	simm.s32 $0x1B8E;
	s24 =	sld [smem:$0x3FFE];
	[sflag:s23] =	ssyncadd.s32 $0xFFFFFFFF  }
0xa5: {  	s26 =	simm.s32 $execute0_lowered;
	[smem:$0x3FD2] =	sst s25  }
0xa6: {  	s5 =	sshll.u32 s26, $0x1;
	_ =	strace $0x80000046;
	[dreg:$0x1] =	wrdreg $0xFFFFFFFF  }
0xa7: {  	s28 =	simm.s32 $_size_execute0_lowered;
	s3 =	sadd.s32 s3, s5;
	[dreg:$0x0] =	wrdreg $0x0  }
0xa8: {  	s5 =	sshll.u32 s28, $0x1;
	[dreg:$0x2] =	wrdreg s3  }
0xa9: {  	[dreg:$0x3] =	wrdreg s5  }
0xaa: {  	[dreg:$0x4] =	wrdreg $0xC0  }
0xab: {  	_ =	task [dreg:s7], $0x5FFFF  }
0xac: {  	[dreg:$0x1] =	wrdreg $0xFFFFFFFF  }
0xad: {  	[dreg:$0x0] =	wrdreg $0x60  }
0xae: {  	[dreg:$0x2] =	wrdreg s24  }
0xaf: {  	[dreg:$0x3] =	wrdreg s2  }
0xb0: {  	[dreg:$0x4] =	wrdreg $0x68000  }
0xb1: {  	[dreg:$0x5] =	wrdreg $0x9  }
0xb2: {  	_ =	task.clear_ibuf [dreg:s7], $0x6FFFF;
	_ =	strace $0x90000046  }
0xb3: {  	s29 =	simm.s32 $0x9;
	_ =	strace $0x80000048  }
0xb4: {  	_ =	swait.ge [sflag:s29], $0x1  }
0xb5: {  	[sflag:s29] =	ssyncadd.s32 $0xFFFFFFFF  }
0xb6: {  	_ =	strace $0x90000048  }
0xb7: {  	_ =	sfence  }
0xb8: {  	s30 =	sld [smem:$0x0];
	_ =	sdelay $0x2  }
0xb9: {  	s31 =	sshll.u32 s1, $0xD;
	s1 =	sshrl.u32 s1, $0x2  }
0xba: {  	s3 =	sand.u32 $0x4000, s31;
	s1 =	sadd.s32 s1, s30  }
0xbb: {  	s0 =	sor.u32 s3, s0;
	s1 =	sshll.u32 s1, $0x11  }
0xbc: {  	s0 =	sor.u32 s1, s0  }
0xbd: {  	s0 =	sadd.s32 $0x8F2B, s0  }
0xbe: {  	[sflag:s0] =	ssyncadd.remote.s32 $0x1  }
0xbf: {  	_ =	sfence.sel $0xFFFF  }
0xc0: {  	[dreg:$0x0] =	wrdreg $0xFFFFFFFF;
	(pc) =	sbr.abs _section_cstart, $3  }
0xc1: {  	[dreg:$0x1] =	wrdreg $0xFFFFFFFF  }
0xc2: {  	_ =	task.clear_ibuf [dreg:s7], $0x2FFFF;
	_ =	strace $0x9FFFFFFF  }
0xc3: {  	(tm) =	ssettm $0x7FFFFFFF  }
tec
execute0_lowered:
.L_overlay_start_1:
0x0: {  	(tag) =	ssettag $0x1  }
0x1: {  	s5 =	rddreg [dreg:$0x0]  }
0x2: {  	s0 =	srdreg.scid;
	s6 =	rddreg [dreg:$0x1]  }
0x3: {  	s2 =	rddreg [dreg:$0x2];
	s1 =	stileid.u32  }
0x4: {  	s3 =	simm.s32 $0x0;
	s13 =	simm.s32 $0x1;
	s14 =	simm.s32 $0x80  }
0x5: {  	s4 =	sand.u32 $0x1, s0;
	s0 =	rddreg [dreg:$0x3];
	s10 =	smul.u32 $0x4E000, s1  }
0x6: {  	[smem:$0x7FF] =	sst s3;
	s16 =	smul.u32 $0x2700, s1;
	p0 =	seq.s32 s1, $0xF  }
0x7: {  	s7 =	sshll.u32 s4, $0x4;
	_ =	strace $0x80000047;
	s8 =	smul.u32 $0x27100, s4  }
0x8: {  	s9 =	ssub.s32 $0x2, s4;
	s4 =	sadd.s32 $0xCC00, s5;
	s12 =	sshll.u32 @!p0 s1, $0x6  }
0x9: {  	s7 =	sor.u32 s1, s7;
	s11 =	sshrl.u32 s9, $0x1;
	s31 =	sshrl.u32 s10, $0x2  }
0xa: {  	s10 =	sadd.s32 $0x124800, s2;
	s7 =	smul.u32 $0x500, s7;
	s8 =	sadd.s32 s8, s5  }
0xb: {  	s9 =	ssub.s32 s9, s11;
	s11 =	sadd.s32 s31, s2;
	s17 =	sadd.s32 $0xD400, s8  }
0xc: {  	s8 =	smax.u32 s9, $0x1;
	s9 =	sshrl.u32 @p0 s10, $0x3;
	s10 =	sor.u32 @!p0 $0x1C01, s12  }
0xd: {  	s11 =	sshrl.u32 @!p0 s11, $0x3;
	s12 =	simm.s32 $0x2800;
	s7 =	sadd.s32 s7, s5  }
0xe: {  	s5 =	sadd.s32 s6, s16;
	s6 =	sadd.s32 $0x24900, s6;
	s15 =	sadd.s32 @p0 $0x24900, s17  }
0xf: {  	s16 =	sadd.s32 @!p0 s16, s17;
	s17 =	simm.s32 $0x0;
	s7 =	sadd.s32 $0x2C00, s7  }
.LBB2_1:
0x10: {  	s18 =	simm.s32 @p0 $0x1FC1  }
0x11: {  	[spmem:s9], [sflag:s18] =	dma.local @p0 [hbm:s6], $0x2800  }
0x12: {  	s18 =	simm.s32 @p0 $0x1  }
0x13: {  	_ =	swait.ge @p0 [sflag:s18], $0x2800  }
0x14: {  	[sflag:s18] =	ssyncset.done @p0 $0x0  }
0x15: {  	[sflag:s18] =	ssyncadd.s32 @p0 $0xFFFFD800;
	s18 =	simm.s32 @!p0 $0x1  }
0x16: {  	[spmem:s11], [sflag:s10] =	dma.local @!p0 [hbm:s5], $0x2700  }
0x17: {  	_ =	swait.ge @!p0 [sflag:s18], $0x2700  }
0x18: {  	[sflag:s18] =	ssyncset.done @!p0 $0x0  }
0x19: {  	[sflag:s18] =	ssyncadd.s32 @!p0 $0xFFFFD900  }
0x1a: {  	[tilespmem:s12], [sflag:$0x1] =	stream.linear.gather [hbm4b:s4+s3], $0x4000, $0x38;
	[tilespmem:$0x1A480] =	vst v63  }
0x1b: {  	_ =	swait.ge [sflag:s13], $0x4000  }
0x1c: {  	[sflag:s13] =	ssyncset.done $0x0  }
0x1d: {  	[sflag:s13] =	ssyncadd.s32 $0xFFFFC000  }
0x1e: {  	[tilespmem:s3], [sflag:$0x1] =	stream.linear.gather [hbm4b:s7+s3], $0x2780, $0x38;
	[tilespmem:$0x1A480] =	vst v63  }
0x1f: {  	_ =	swait.ge [sflag:s13], $0x2780  }
0x20: {  	[sflag:s13] =	ssyncset.done $0x0  }
0x21: {  	[sflag:s13] =	ssyncadd.s32 $0xFFFFD880  }
0x22: {  	s31 =	simm.s32 $0x0;
	[bflag:$0x0] =	sbarrier.arrive $0xFFFF  }
0x23: {  	[spmem:s2] =	stream.indirect.scatter.add.f32 [tilespmem:s12], [sflag:$0x1], $0x80, s31, s14, $0xb8;
	[tilespmem:$0x1A480] =	vst v63  }
0x24: {  	_ =	swait.ge [sflag:s13], $0x4000  }
0x25: {  	s18 =	simm.s32 $0x200;
	[sflag:s13] =	ssyncset.done $0x0  }
.LBB2_2:
0x26: {  	s19 =	sshra.s32 s18, $0x2;
	[sflag:s13] =	ssyncadd.s32 $0xFFFFC000;
	p1 =	sne.s32 s18, $0x9C00  }
0x27: {  	[spmem:s2] =	stream.indirect.scatter.add.f32 [tilespmem:s12], [sflag:$0x1], $0x80, s19, s14, $0xb8;
	[tilespmem:$0x1A480] =	vst v63  }
.Ltmp0:
0x28: {  	_ = 	snop;
	(pc) =	sbr.rel @p1 .LBB2_2-.Ltmp0, $4  }
0x29: {  	_ = 	snop  }
0x2a: {  	s18 =	sadd.s32 $0x200, s18  }
0x2b: {  	_ =	swait.ge [sflag:s13], $0x4000  }
0x2c: {  	[sflag:s13] =	ssyncset.done $0x0  }
0x2d: {  	[sflag:s13] =	ssyncadd.s32 $0xFFFFC000  }
0x2e: {  	s18 =	simm.s32 @p0 $0x1FC1;
	[bflag:$0x0] =	sbarrier.arrive $0xFFFF  }
0x2f: {  	[hbm:s15], [sflag:s18] =	dma.local @p0 [spmem:s9], $0x2800  }
0x30: {  	s18 =	simm.s32 @p0 $0x1  }
0x31: {  	s17 =	sadd.s32 $0x1, s17;
	_ =	swait.ge @p0 [sflag:s18], $0x2800  }
0x32: {  	p1 =	sne.s32 s17, s8;
	[sflag:s18] =	ssyncset.done @p0 $0x0  }
.Ltmp1:
0x33: {  	[sflag:s18] =	ssyncadd.s32 @p0 $0xFFFFD800;
	s18 =	simm.s32 @!p0 $0x1;
	(pc) =	sbr.rel @p1 .LBB2_1-.Ltmp1, $4  }
0x34: {  	[hbm:s16], [sflag:s10] =	dma.local @!p0 [spmem:s11], $0x2700  }
0x35: {  	_ =	swait.ge @!p0 [sflag:s18], $0x2700  }
0x36: {  	[sflag:s18] =	ssyncset.done @!p0 $0x0  }
0x37: {  	[sflag:s18] =	ssyncadd.s32 @!p0 $0xFFFFD900  }
0x38: {  	_ =	sfence.sel $0x180000  }
0x39: {  	[bflag:$0x0] =	sbarrier.arrive $0xFFFF  }
0x3a: {  	p0 =	sne.s32 s1, $0x0;
	_ =	strace $0x90000047  }
0x3b: {  	s0 =	sadd.s32 @!p0 $0x100000, s0;
	[bflag:$0x2] =	sbarrier.arrive $0xFFFF  }
0x3c: {  	[sflag:s0] =	ssyncadd.tile.s32 @!p0 $0x1;
	_ =	shalt  }
.Lfunc_end2:
_tile_overlayer_lowered:
.L_overlay_start_2:
0x3d: {  	(tag) =	ssettag $0x2  }
0x3e: {  	s0 =	rddreg [dreg:$0x0];
	s2 =	stileid.u32  }
0x3f: {  	s1 =	rddreg [dreg:$0x1];
	p0 =	sne.s32 s2, $0x0  }
0x40: {  	s3 =	rddreg [dreg:$0x2];
	[bflag:$0x3] =	sbarrier.arrive $0xFFFF;
	s2 =	simm.s32 @!p0 $0x1C01  }
0x41: {  	[timem:s3], [sflag:s2] =	dma.local @!p0 [hbm:s0], s1  }
0x42: {  	s0 =	simm.s32 @!p0 $0x1  }
0x43: {  	_ =	swait.ge @!p0 [sflag:s0], s1  }
0x44: {  	s1 =	ssub.s32 @!p0 $0x0, s1;
	[sflag:s0] =	ssyncset.done @!p0 $0x0  }
0x45: {  	[sflag:s0] =	ssyncadd.s32 @!p0 s1  }
0x46: {  	[bflag:$0x3] =	sbarrier.arrive $0xFFFF  }
0x47: {  	_ =	shalt  }

</sc_bundles>
